<compile_context>
chip_gen: v7x
topology: tpu7x:2x2x1
jax: 0.10.2.dev20260603
libtpu: 0.0.44.dev20260713+nightly
codegen_flags: <defaults>
</compile_context>

<pallas_src>
import functools

import jax
import jax.numpy as jnp
from jax import lax
from jax.experimental import pallas as pl
from jax.experimental.pallas import tpu as pltpu
from jax.experimental.pallas import tpu_sc as plsc

CH = 128
NW = 32
LANES = 16


def _proj_tc(edge_attr, W_edge, b_edge):
    E, DE = edge_attr.shape
    D = W_edge.shape[1]
    BLK = 4000

    def body(ea_ref, w_ref, b_ref, out_ref):
        out_ref[...] = jnp.dot(ea_ref[...], w_ref[...],
                               preferred_element_type=jnp.float32,
                               precision=lax.Precision.HIGHEST) + b_ref[...]

    return pl.pallas_call(
        body,
        grid=(E // BLK,),
        in_specs=[
            pl.BlockSpec((BLK, DE), lambda i: (i, 0)),
            pl.BlockSpec((DE, D), lambda i: (0, 0)),
            pl.BlockSpec((1, D), lambda i: (0, 0)),
        ],
        out_specs=pl.BlockSpec((BLK, D), lambda i: (i, 0)),
        out_shape=jax.ShapeDtypeStruct((E, D), jnp.float32),
    )(edge_attr, W_edge, b_edge.reshape(1, D))


def _sc_message(x, zeros_nd, proj, src, dst):
    N, D = x.shape
    E = src.shape[0]
    nchunk = E // CH
    cpw = (nchunk + NW - 1) // NW
    rows_per_tile = ((N + 15 * 8) // (16 * 8)) * 8
    mesh = plsc.VectorSubcoreMesh(core_axis_name="c", subcore_axis_name="s")

    @functools.partial(
        pl.kernel,
        out_type=jax.ShapeDtypeStruct((2, N, D), jnp.float32),
        mesh=mesh,
        name="sc_message",
        scratch_types=[
            pltpu.VMEM_SHARED((N, D), jnp.float32),
            pltpu.VMEM((CH,), jnp.int32),
            pltpu.VMEM((CH,), jnp.int32),
            pltpu.VMEM((CH, D), jnp.float32),
            pltpu.VMEM((CH, D), jnp.float32),
            pltpu.SemaphoreType.DMA,
        ],
    )
    def sc_message_k(x_hbm, zeros_hbm, proj_hbm, src_hbm, dst_hbm, out_hbm,
          agg_sh, sidx, didx, xrows, prows, sem):
        c = lax.axis_index("c")
        s = lax.axis_index("s")
        wid = c * 16 + s

        rb = pl.multiple_of(jnp.minimum(s * rows_per_tile, N - rows_per_tile), 8)
        pltpu.sync_copy(zeros_hbm.at[pl.ds(rb, rows_per_tile)],
                        agg_sh.at[pl.ds(rb, rows_per_tile)])
        plsc.subcore_barrier()

        def chunk(kk, carry):
            cidx = kk * NW + wid

            @pl.when(cidx < nchunk)
            def _():
                gb = cidx * CH
                pltpu.sync_copy(src_hbm.at[pl.ds(gb, CH)], sidx)
                pltpu.sync_copy(dst_hbm.at[pl.ds(gb, CH)], didx)
                gat = pltpu.async_copy(x_hbm.at[sidx], xrows, sem)
                pltpu.sync_copy(proj_hbm.at[pl.ds(gb, CH)], prows)
                gat.wait()

                def row(r, c2):
                    for j in range(D // LANES):
                        sl = pl.ds(j * LANES, LANES)
                        xrows[r, sl] = jnp.maximum(xrows[r, sl] + prows[r, sl], 0.0)
                    return c2
                lax.fori_loop(0, CH, row, None)
                pltpu.sync_copy(xrows, agg_sh.at[didx], add=True)
            return carry
        lax.fori_loop(0, cpw, chunk, None)

        plsc.subcore_barrier()
        pltpu.sync_copy(agg_sh.at[pl.ds(rb, rows_per_tile)],
                        out_hbm.at[c, pl.ds(rb, rows_per_tile)])


    return sc_message_k(x, zeros_nd, proj, src, dst)


def _node_tc(x, agg0, agg1, W1, b1, WaCat):
    N, D = x.shape
    BLK = 1000

    def body(x_ref, a0_ref, a1_ref, w1_ref, b1_ref, wa_ref, out_ref):
        z = x_ref[...] + a0_ref[...] + a1_ref[...]
        ne = jnp.maximum(
            jnp.dot(z, w1_ref[...], preferred_element_type=jnp.float32,
                    precision=lax.Precision.HIGHEST)
            + b1_ref[...], 0.0)
        out_ref[...] = jnp.dot(ne, wa_ref[...], preferred_element_type=jnp.float32,
                               precision=lax.Precision.HIGHEST)

    return pl.pallas_call(
        body,
        grid=(N // BLK,),
        in_specs=[
            pl.BlockSpec((BLK, D), lambda i: (i, 0)),
            pl.BlockSpec((BLK, D), lambda i: (i, 0)),
            pl.BlockSpec((BLK, D), lambda i: (i, 0)),
            pl.BlockSpec((D, D), lambda i: (0, 0)),
            pl.BlockSpec((1, D), lambda i: (0, 0)),
            pl.BlockSpec((D, D), lambda i: (0, 0)),
        ],
        out_specs=pl.BlockSpec((BLK, D), lambda i: (i, 0)),
        out_shape=jax.ShapeDtypeStruct((N, D), jnp.float32),
    )(x, agg0, agg1, W1, b1.reshape(1, D), WaCat)


def _sc_edge(P, src, dst, ba, wb):
    N, D2 = P.shape
    H = D2 // 2
    E = src.shape[0]
    nchunk = E // CH
    cpw = (nchunk + NW - 1) // NW
    mesh = plsc.VectorSubcoreMesh(core_axis_name="c", subcore_axis_name="s")

    @functools.partial(
        pl.kernel,
        out_type=jax.ShapeDtypeStruct((E, LANES), jnp.float32),
        mesh=mesh,
        name="sc_edge",
        scratch_types=[
            pltpu.VMEM((CH,), jnp.int32),
            pltpu.VMEM((CH,), jnp.int32),
            pltpu.VMEM((CH, D2), jnp.float32),
            pltpu.VMEM((CH, D2), jnp.float32),
            pltpu.VMEM((CH, LANES), jnp.float32),
            pltpu.VMEM((H,), jnp.float32),
            pltpu.VMEM((H,), jnp.float32),
            pltpu.SemaphoreType.DMA,
            pltpu.SemaphoreType.DMA,
        ],
    )
    def sc_edge_k(p_hbm, src_hbm, dst_hbm, ba_hbm, wb_hbm, out_hbm,
          sidx, didx, r1, r2, acc, bav, wbv, sem1, sem2):
        wid = lax.axis_index("c") * 16 + lax.axis_index("s")
        pltpu.sync_copy(ba_hbm, bav)
        pltpu.sync_copy(wb_hbm, wbv)

        def chunk(kk, carry):
            cidx = kk * NW + wid

            @pl.when(cidx < nchunk)
            def _():
                gb = cidx * CH
                pltpu.sync_copy(src_hbm.at[pl.ds(gb, CH)], sidx)
                pltpu.sync_copy(dst_hbm.at[pl.ds(gb, CH)], didx)
                g1 = pltpu.async_copy(p_hbm.at[sidx], r1, sem1)
                g2 = pltpu.async_copy(p_hbm.at[didx], r2, sem2)
                g1.wait()
                g2.wait()

                def row(e, c2):
                    a = jnp.zeros((LANES,), jnp.float32)
                    for j in range(H // LANES):
                        sl = pl.ds(j * LANES, LANES)
                        g = (r1[e, sl] + r2[e, pl.ds(H + j * LANES, LANES)]
                             + bav[pl.ds(j * LANES, LANES)])
                        a = a + jnp.maximum(g, 0.0) * wbv[pl.ds(j * LANES, LANES)]
                    acc[e, :] = a
                    return c2
                lax.fori_loop(0, CH, row, None)
                pltpu.sync_copy(acc, out_hbm.at[pl.ds(gb, CH)])
            return carry
        lax.fori_loop(0, cpw, chunk, None)

    return sc_edge_k(P, src, dst, ba, wb)


def _fold_tc(acc16, bb):
    E = acc16.shape[0]
    R = E // 8
    a_r = acc16.reshape(R, 128)
    fold = jnp.zeros((128, 8), jnp.float32)
    fold = fold.at[jnp.arange(128), jnp.arange(128) // 16].set(1.0)
    BLK = 4000

    def body(a_ref, f_ref, b_ref, out_ref):
        out_ref[...] = jnp.dot(a_ref[...], f_ref[...],
                               preferred_element_type=jnp.float32,
                               precision=lax.Precision.HIGHEST) + b_ref[...]

    out = pl.pallas_call(
        body,
        grid=(R // BLK,),
        in_specs=[
            pl.BlockSpec((BLK, 128), lambda i: (i, 0)),
            pl.BlockSpec((128, 8), lambda i: (0, 0)),
            pl.BlockSpec((1, 1), lambda i: (0, 0)),
        ],
        out_specs=pl.BlockSpec((BLK, 8), lambda i: (i, 0)),
        out_shape=jax.ShapeDtypeStruct((R, 8), jnp.float32),
    )(a_r, fold, bb.reshape(1, 1))
    return out.reshape(E, 1)


def kernel(batch, x, edge_index, edge_attr, W_edge, b_edge, W1, b1, Wa, ba, Wb, bb):
    del batch
    D = x.shape[1]
    src = edge_index[0]
    dst = edge_index[1]

    proj = _proj_tc(edge_attr, W_edge, b_edge)
    zeros_nd = jnp.zeros_like(x)
    aggs = _sc_message(x, zeros_nd, proj, src, dst)

    WaCat = jnp.concatenate([Wa[:D], Wa[D:]], axis=1)
    P = _node_tc(x, aggs[0], aggs[1], W1, b1, WaCat)

    acc16 = _sc_edge(P, src, dst, ba, Wb.reshape(-1))
    return _fold_tc(acc16, bb)

# --- scband reference (transcript-rebuilt; emitter-appended) ---
"""Pipeline reference for scband-view-learner-60619168416423 (READ-ONLY COPY).

The authoritative reference and input builder live on the scoring server;
editing this copy changes nothing except your own understanding.
"""

import jax, jax.numpy as jnp
import numpy as np

N = 10000
E = 320000
D = 128
DE = 16
H = 64

def setup_inputs(seed: int = 0) -> dict:
    key = jax.random.key(seed)
    ks = jax.random.split(key, 8)
    batch = jnp.sort(jax.random.randint(ks[0], (N,), 0, 128))
    x = jax.random.normal(ks[1], (N, D), dtype=jnp.float32)
    edge_index = jax.random.randint(ks[2], (2, E), 0, N)
    edge_attr = jax.random.normal(ks[3], (E, DE), dtype=jnp.float32)
    def xavier(k, sh):
        fan_in, fan_out = sh[0], sh[1]
        limit = np.sqrt(6.0 / (fan_in + fan_out))
        return jax.random.uniform(k, sh, dtype=jnp.float32, minval=-limit, maxval=limit)
    W_edge = xavier(ks[4], (DE, D))
    b_edge = jnp.zeros((D,), jnp.float32)
    W1 = xavier(ks[5], (D, D))
    b1 = jnp.zeros((D,), jnp.float32)
    Wa = xavier(ks[6], (2 * D, H))
    ba = jnp.zeros((H,), jnp.float32)
    Wb = xavier(ks[7], (H, 1))
    bb = jnp.zeros((1,), jnp.float32)
    return {"batch": batch, "x": x, "edge_index": edge_index, "edge_attr": edge_attr,
            "W_edge": W_edge, "b_edge": b_edge, "W1": W1, "b1": b1,
            "Wa": Wa, "ba": ba, "Wb": Wb, "bb": bb}

def reference(batch, x, edge_index, edge_attr, W_edge, b_edge, W1, b1, Wa, ba, Wb, bb):
    # Encoder: single GINE-style message-passing layer producing node_emb
    src = edge_index[0]
    dst = edge_index[1]
    msg = jax.nn.relu(x[src] + edge_attr @ W_edge + b_edge)          # gather + edge proj
    agg = jax.ops.segment_sum(msg, dst, num_segments=x.shape[0])      # scatter-add to dst
    node_emb = jax.nn.relu((x + agg) @ W1 + b1)
    # ViewLearner edge MLP
    emb_src = node_emb[src]
    emb_dst = node_emb[dst]
    edge_emb = jnp.concatenate([emb_src, emb_dst], axis=1)
    h = jax.nn.relu(edge_emb @ Wa + ba)
    edge_logits = h @ Wb + bb
    return edge_logits

if __name__ == "__main__":
    import jax
    _d = setup_inputs()
    print(jax.jit(kernel)(*tuple(_d.values())))

</pallas_src>

<mosaic_0001>
#map = affine_map<(d0, d1) -> (0, 0)>
#map1 = affine_map<(d0, d1) -> (0)>
module attributes {stable_mosaic.version = 14 : i64} {
  func.func @sc_edge(%arg0: i32, %arg1: i32, %arg2: memref<10000x128xf32, #tpu.memory_space<hbm>>, %arg3: memref<320000xi32, #tpu.memory_space<hbm>>, %arg4: memref<320000xi32, #tpu.memory_space<hbm>>, %arg5: memref<64xf32, #tpu.memory_space<hbm>>, %arg6: memref<64xf32, #tpu.memory_space<hbm>>, %arg7: memref<320000x16xf32, #tpu.memory_space<hbm>>, %arg8: memref<128xi32, #tpu.memory_space<vmem>>, %arg9: memref<128xi32, #tpu.memory_space<vmem>>, %arg10: memref<128x128xf32, #tpu.memory_space<vmem>>, %arg11: memref<128x128xf32, #tpu.memory_space<vmem>>, %arg12: memref<128x16xf32, #tpu.memory_space<vmem>>, %arg13: memref<64xf32, #tpu.memory_space<vmem>>, %arg14: memref<64xf32, #tpu.memory_space<vmem>>, %arg15: memref<!tpu.dma_semaphore, #tpu.memory_space<semaphore_mem>>, %arg16: memref<!tpu.dma_semaphore, #tpu.memory_space<semaphore_mem>>) attributes {dimension_semantics = [#tpu.dimension_semantics<core_parallel>, #tpu.dimension_semantics<subcore_parallel>], iteration_bounds = array<i64: 2, 16>, scalar_prefetch = 0 : i64, scratch_operands = 9 : i64, tpu.core_type = #tpu.core_type<sc_vector_subcore>, window_params = [{transform_indices = #map}, {transform_indices = #map1}, {transform_indices = #map1}, {transform_indices = #map1}, {transform_indices = #map1}, {transform_indices = #map}]} {
    %mul3A = arith.constant 16 : i32
    %mul3A_0 = arith.muli %arg0, %mul3A : i32
    %add3A = arith.addi %mul3A_0, %arg1 : i32
    "tpu.region"() ({
      %run_scoped3A = tpu.sem_alloc : memref<!tpu.dma_semaphore, #tpu.memory_space<semaphore_mem>>
      tpu.enqueue_dma source(%arg5 : memref<64xf32, #tpu.memory_space<hbm>>) target(%arg13 : memref<64xf32, #tpu.memory_space<vmem>>) target_semaphore(%run_scoped3A : memref<!tpu.dma_semaphore, #tpu.memory_space<semaphore_mem>>)
      tpu.wait_dma2 semaphore(%run_scoped3A : memref<!tpu.dma_semaphore, #tpu.memory_space<semaphore_mem>>) src(%arg5 : memref<64xf32, #tpu.memory_space<hbm>>) dst(%arg13 : memref<64xf32, #tpu.memory_space<vmem>>)
      tpu.yield
    }) : () -> ()
    "tpu.region"() ({
      %run_scoped3A = tpu.sem_alloc : memref<!tpu.dma_semaphore, #tpu.memory_space<semaphore_mem>>
      tpu.enqueue_dma source(%arg6 : memref<64xf32, #tpu.memory_space<hbm>>) target(%arg14 : memref<64xf32, #tpu.memory_space<vmem>>) target_semaphore(%run_scoped3A : memref<!tpu.dma_semaphore, #tpu.memory_space<semaphore_mem>>)
      tpu.wait_dma2 semaphore(%run_scoped3A : memref<!tpu.dma_semaphore, #tpu.memory_space<semaphore_mem>>) src(%arg6 : memref<64xf32, #tpu.memory_space<hbm>>) dst(%arg14 : memref<64xf32, #tpu.memory_space<vmem>>)
      tpu.yield
    }) : () -> ()
    %scan3A = arith.constant 0 : i32
    %scan3A_1 = arith.constant 79 : i32
    %scan3A_2 = arith.addi %scan3A, %scan3A_1 : i32
    %scan3A_3 = arith.constant 1 : i32
    scf.for %scan3A_5 = %scan3A to %scan3A_2 step %scan3A_3  : i32 {
      %mul3A_6 = arith.constant 32 : i32
      %mul3A_7 = arith.muli %scan3A_5, %mul3A_6 : i32
      %add3A_8 = arith.addi %mul3A_7, %add3A : i32
      %lt3A = arith.constant 2500 : i32
      %lt3A_9 = arith.cmpi slt, %add3A_8, %lt3A : i32
      %convert_element_type3A = arith.extui %lt3A_9 : i1 to i32
      %cond3A = arith.constant 0 : i32
      %cond3A_10 = arith.cmpi ne, %convert_element_type3A, %cond3A : i32
      scf.if %cond3A_10 {
        %mul3A_11 = arith.constant 128 : i32
        %mul3A_12 = arith.muli %add3A_8, %mul3A_11 : i32
        "tpu.region"() ({
          %run_scoped3A = tpu.sem_alloc : memref<!tpu.dma_semaphore, #tpu.memory_space<semaphore_mem>>
          %dma_start3A_28 = tpu.memref_slice %arg3[%mul3A_12] : memref<320000xi32, #tpu.memory_space<hbm>> -> memref<128xi32, #tpu.memory_space<hbm>>
          %dma_start3A_29 = tpu.memref_slice %arg3[%mul3A_12] : memref<320000xi32, #tpu.memory_space<hbm>> -> memref<128xi32, #tpu.memory_space<hbm>>
          tpu.enqueue_dma source(%dma_start3A_29 : memref<128xi32, #tpu.memory_space<hbm>>) target(%arg8 : memref<128xi32, #tpu.memory_space<vmem>>) target_semaphore(%run_scoped3A : memref<!tpu.dma_semaphore, #tpu.memory_space<semaphore_mem>>)
          %dma_wait3A_30 = tpu.memref_slice %arg3[%mul3A_12] : memref<320000xi32, #tpu.memory_space<hbm>> -> memref<128xi32, #tpu.memory_space<hbm>>
          %dma_wait3A_31 = tpu.memref_slice %arg3[%mul3A_12] : memref<320000xi32, #tpu.memory_space<hbm>> -> memref<128xi32, #tpu.memory_space<hbm>>
          tpu.wait_dma2 semaphore(%run_scoped3A : memref<!tpu.dma_semaphore, #tpu.memory_space<semaphore_mem>>) src(%dma_wait3A_31 : memref<128xi32, #tpu.memory_space<hbm>>) dst(%arg8 : memref<128xi32, #tpu.memory_space<vmem>>)
          tpu.yield
        }) : () -> ()
        "tpu.region"() ({
          %run_scoped3A = tpu.sem_alloc : memref<!tpu.dma_semaphore, #tpu.memory_space<semaphore_mem>>
          %dma_start3A_28 = tpu.memref_slice %arg4[%mul3A_12] : memref<320000xi32, #tpu.memory_space<hbm>> -> memref<128xi32, #tpu.memory_space<hbm>>
          %dma_start3A_29 = tpu.memref_slice %arg4[%mul3A_12] : memref<320000xi32, #tpu.memory_space<hbm>> -> memref<128xi32, #tpu.memory_space<hbm>>
          tpu.enqueue_dma source(%dma_start3A_29 : memref<128xi32, #tpu.memory_space<hbm>>) target(%arg9 : memref<128xi32, #tpu.memory_space<vmem>>) target_semaphore(%run_scoped3A : memref<!tpu.dma_semaphore, #tpu.memory_space<semaphore_mem>>)
          %dma_wait3A_30 = tpu.memref_slice %arg4[%mul3A_12] : memref<320000xi32, #tpu.memory_space<hbm>> -> memref<128xi32, #tpu.memory_space<hbm>>
          %dma_wait3A_31 = tpu.memref_slice %arg4[%mul3A_12] : memref<320000xi32, #tpu.memory_space<hbm>> -> memref<128xi32, #tpu.memory_space<hbm>>
          tpu.wait_dma2 semaphore(%run_scoped3A : memref<!tpu.dma_semaphore, #tpu.memory_space<semaphore_mem>>) src(%dma_wait3A_31 : memref<128xi32, #tpu.memory_space<hbm>>) dst(%arg9 : memref<128xi32, #tpu.memory_space<vmem>>)
          tpu.yield
        }) : () -> ()
        %dma_start3A = arith.constant 0 : i32
        %dma_start3A_13 = arith.constant 0 : i32
        %dma_start3A_14 = tpu.memref_slice %arg2[%dma_start3A, %dma_start3A_13] : memref<10000x128xf32, #tpu.memory_space<hbm>> -> memref<10000x128xf32, #tpu.memory_space<hbm>>
        tpu.enqueue_indirect_dma source(%dma_start3A_14 : memref<10000x128xf32, #tpu.memory_space<hbm>>) target(%arg10 : memref<128x128xf32, #tpu.memory_space<vmem>>) offsets(%arg8 : memref<128xi32, #tpu.memory_space<vmem>>) semaphore(%arg15 : memref<!tpu.dma_semaphore, #tpu.memory_space<semaphore_mem>>)
        %dma_start3A_15 = arith.constant 0 : i32
        %dma_start3A_16 = arith.constant 0 : i32
        %dma_start3A_17 = tpu.memref_slice %arg2[%dma_start3A_15, %dma_start3A_16] : memref<10000x128xf32, #tpu.memory_space<hbm>> -> memref<10000x128xf32, #tpu.memory_space<hbm>>
        tpu.enqueue_indirect_dma source(%dma_start3A_17 : memref<10000x128xf32, #tpu.memory_space<hbm>>) target(%arg11 : memref<128x128xf32, #tpu.memory_space<vmem>>) offsets(%arg9 : memref<128xi32, #tpu.memory_space<vmem>>) semaphore(%arg16 : memref<!tpu.dma_semaphore, #tpu.memory_space<semaphore_mem>>)
        %dma_wait3A = arith.constant 0 : i32
        %dma_wait3A_18 = arith.constant 0 : i32
        %dma_wait3A_19 = tpu.memref_slice %arg2[%dma_wait3A, %dma_wait3A_18] : memref<10000x128xf32, #tpu.memory_space<hbm>> -> memref<10000x128xf32, #tpu.memory_space<hbm>>
        tpu.wait_indirect_dma semaphore(%arg15 : memref<!tpu.dma_semaphore, #tpu.memory_space<semaphore_mem>>) src(%dma_wait3A_19 : memref<10000x128xf32, #tpu.memory_space<hbm>>) dst(%arg10 : memref<128x128xf32, #tpu.memory_space<vmem>>)
        %dma_wait3A_20 = arith.constant 0 : i32
        %dma_wait3A_21 = arith.constant 0 : i32
        %dma_wait3A_22 = tpu.memref_slice %arg2[%dma_wait3A_20, %dma_wait3A_21] : memref<10000x128xf32, #tpu.memory_space<hbm>> -> memref<10000x128xf32, #tpu.memory_space<hbm>>
        tpu.wait_indirect_dma semaphore(%arg16 : memref<!tpu.dma_semaphore, #tpu.memory_space<semaphore_mem>>) src(%dma_wait3A_22 : memref<10000x128xf32, #tpu.memory_space<hbm>>) dst(%arg11 : memref<128x128xf32, #tpu.memory_space<vmem>>)
        %scan3A_23 = arith.constant 0 : i32
        %scan3A_24 = arith.constant 128 : i32
        %scan3A_25 = arith.addi %scan3A_23, %scan3A_24 : i32
        %scan3A_26 = arith.constant 1 : i32
        scf.for %scan3A_28 = %scan3A_23 to %scan3A_25 step %scan3A_26  : i32 {
          %broadcast_in_dim3A = arith.constant 0.000000e+00 : f32
          %broadcast_in_dim3A_29 = vector.broadcast %broadcast_in_dim3A : f32 to vector<16xf32>
          %get3A = arith.index_cast %scan3A_28 : i32 to index
          %get3A_30 = arith.constant 0 : index
          %get3A_31 = tpu.vector_load %arg10[%get3A, %get3A_30] {strides = array<i32>} : memref<128x128xf32, #tpu.memory_space<vmem>>, vector<1x16xf32>,
          %get3A_32 = vector.shape_cast %get3A_31 : vector<1x16xf32> to vector<16xf32>
          %get3A_33 = arith.index_cast %scan3A_28 : i32 to index
          %get3A_34 = arith.constant 64 : index
          %get3A_35 = tpu.vector_load %arg11[%get3A_33, %get3A_34] {strides = array<i32>} : memref<128x128xf32, #tpu.memory_space<vmem>>, vector<1x16xf32>,
          %get3A_36 = vector.shape_cast %get3A_35 : vector<1x16xf32> to vector<16xf32>
          %add3A_37 = arith.addf %get3A_32, %get3A_36 : vector<16xf32>
          %get3A_38 = arith.constant 0 : index
          %get3A_39 = tpu.vector_load %arg13[%get3A_38] {strides = array<i32>} : memref<64xf32, #tpu.memory_space<vmem>>, vector<16xf32>,
          %get3A_40 = vector.shape_cast %get3A_39 : vector<16xf32> to vector<16xf32>
          %add3A_41 = arith.addf %add3A_37, %get3A_40 : vector<16xf32>
          %max3A = arith.constant 0.000000e+00 : f32
          %max3A_42 = vector.broadcast %max3A : f32 to vector<16xf32>
          %max3A_43 = arith.maximumf %add3A_41, %max3A_42 : vector<16xf32>
          %get3A_44 = arith.constant 0 : index
          %get3A_45 = tpu.vector_load %arg14[%get3A_44] {strides = array<i32>} : memref<64xf32, #tpu.memory_space<vmem>>, vector<16xf32>,
          %get3A_46 = vector.shape_cast %get3A_45 : vector<16xf32> to vector<16xf32>
          %mul3A_47 = arith.mulf %max3A_43, %get3A_46 : vector<16xf32>
          %add3A_48 = arith.addf %broadcast_in_dim3A_29, %mul3A_47 : vector<16xf32>
          %get3A_49 = arith.index_cast %scan3A_28 : i32 to index
          %get3A_50 = arith.constant 16 : index
          %get3A_51 = tpu.vector_load %arg10[%get3A_49, %get3A_50] {strides = array<i32>} : memref<128x128xf32, #tpu.memory_space<vmem>>, vector<1x16xf32>,
          %get3A_52 = vector.shape_cast %get3A_51 : vector<1x16xf32> to vector<16xf32>
          %get3A_53 = arith.index_cast %scan3A_28 : i32 to index
          %get3A_54 = arith.constant 80 : index
          %get3A_55 = tpu.vector_load %arg11[%get3A_53, %get3A_54] {strides = array<i32>} : memref<128x128xf32, #tpu.memory_space<vmem>>, vector<1x16xf32>,
          %get3A_56 = vector.shape_cast %get3A_55 : vector<1x16xf32> to vector<16xf32>
          %add3A_57 = arith.addf %get3A_52, %get3A_56 : vector<16xf32>
          %get3A_58 = arith.constant 16 : index
          %get3A_59 = tpu.vector_load %arg13[%get3A_58] {strides = array<i32>} : memref<64xf32, #tpu.memory_space<vmem>>, vector<16xf32>,
          %get3A_60 = vector.shape_cast %get3A_59 : vector<16xf32> to vector<16xf32>
          %add3A_61 = arith.addf %add3A_57, %get3A_60 : vector<16xf32>
          %max3A_62 = arith.constant 0.000000e+00 : f32
          %max3A_63 = vector.broadcast %max3A_62 : f32 to vector<16xf32>
          %max3A_64 = arith.maximumf %add3A_61, %max3A_63 : vector<16xf32>
          %get3A_65 = arith.constant 16 : index
          %get3A_66 = tpu.vector_load %arg14[%get3A_65] {strides = array<i32>} : memref<64xf32, #tpu.memory_space<vmem>>, vector<16xf32>,
          %get3A_67 = vector.shape_cast %get3A_66 : vector<16xf32> to vector<16xf32>
          %mul3A_68 = arith.mulf %max3A_64, %get3A_67 : vector<16xf32>
          %add3A_69 = arith.addf %add3A_48, %mul3A_68 : vector<16xf32>
          %get3A_70 = arith.index_cast %scan3A_28 : i32 to index
          %get3A_71 = arith.constant 32 : index
          %get3A_72 = tpu.vector_load %arg10[%get3A_70, %get3A_71] {strides = array<i32>} : memref<128x128xf32, #tpu.memory_space<vmem>>, vector<1x16xf32>,
          %get3A_73 = vector.shape_cast %get3A_72 : vector<1x16xf32> to vector<16xf32>
          %get3A_74 = arith.index_cast %scan3A_28 : i32 to index
          %get3A_75 = arith.constant 96 : index
          %get3A_76 = tpu.vector_load %arg11[%get3A_74, %get3A_75] {strides = array<i32>} : memref<128x128xf32, #tpu.memory_space<vmem>>, vector<1x16xf32>,
          %get3A_77 = vector.shape_cast %get3A_76 : vector<1x16xf32> to vector<16xf32>
          %add3A_78 = arith.addf %get3A_73, %get3A_77 : vector<16xf32>
          %get3A_79 = arith.constant 32 : index
          %get3A_80 = tpu.vector_load %arg13[%get3A_79] {strides = array<i32>} : memref<64xf32, #tpu.memory_space<vmem>>, vector<16xf32>,
          %get3A_81 = vector.shape_cast %get3A_80 : vector<16xf32> to vector<16xf32>
          %add3A_82 = arith.addf %add3A_78, %get3A_81 : vector<16xf32>
          %max3A_83 = arith.constant 0.000000e+00 : f32
          %max3A_84 = vector.broadcast %max3A_83 : f32 to vector<16xf32>
          %max3A_85 = arith.maximumf %add3A_82, %max3A_84 : vector<16xf32>
          %get3A_86 = arith.constant 32 : index
          %get3A_87 = tpu.vector_load %arg14[%get3A_86] {strides = array<i32>} : memref<64xf32, #tpu.memory_space<vmem>>, vector<16xf32>,
          %get3A_88 = vector.shape_cast %get3A_87 : vector<16xf32> to vector<16xf32>
          %mul3A_89 = arith.mulf %max3A_85, %get3A_88 : vector<16xf32>
          %add3A_90 = arith.addf %add3A_69, %mul3A_89 : vector<16xf32>
          %get3A_91 = arith.index_cast %scan3A_28 : i32 to index
          %get3A_92 = arith.constant 48 : index
          %get3A_93 = tpu.vector_load %arg10[%get3A_91, %get3A_92] {strides = array<i32>} : memref<128x128xf32, #tpu.memory_space<vmem>>, vector<1x16xf32>,
          %get3A_94 = vector.shape_cast %get3A_93 : vector<1x16xf32> to vector<16xf32>
          %get3A_95 = arith.index_cast %scan3A_28 : i32 to index
          %get3A_96 = arith.constant 112 : index
          %get3A_97 = tpu.vector_load %arg11[%get3A_95, %get3A_96] {strides = array<i32>} : memref<128x128xf32, #tpu.memory_space<vmem>>, vector<1x16xf32>,
          %get3A_98 = vector.shape_cast %get3A_97 : vector<1x16xf32> to vector<16xf32>
          %add3A_99 = arith.addf %get3A_94, %get3A_98 : vector<16xf32>
          %get3A_100 = arith.constant 48 : index
          %get3A_101 = tpu.vector_load %arg13[%get3A_100] {strides = array<i32>} : memref<64xf32, #tpu.memory_space<vmem>>, vector<16xf32>,
          %get3A_102 = vector.shape_cast %get3A_101 : vector<16xf32> to vector<16xf32>
          %add3A_103 = arith.addf %add3A_99, %get3A_102 : vector<16xf32>
          %max3A_104 = arith.constant 0.000000e+00 : f32
          %max3A_105 = vector.broadcast %max3A_104 : f32 to vector<16xf32>
          %max3A_106 = arith.maximumf %add3A_103, %max3A_105 : vector<16xf32>
          %get3A_107 = arith.constant 48 : index
          %get3A_108 = tpu.vector_load %arg14[%get3A_107] {strides = array<i32>} : memref<64xf32, #tpu.memory_space<vmem>>, vector<16xf32>,
          %get3A_109 = vector.shape_cast %get3A_108 : vector<16xf32> to vector<16xf32>
          %mul3A_110 = arith.mulf %max3A_106, %get3A_109 : vector<16xf32>
          %add3A_111 = arith.addf %add3A_90, %mul3A_110 : vector<16xf32>
          %swap3A = arith.index_cast %scan3A_28 : i32 to index
          %swap3A_112 = arith.constant 0 : index
          %swap3A_113 = tpu.vector_load %arg12[%swap3A, %swap3A_112] {strides = array<i32>} : memref<128x16xf32, #tpu.memory_space<vmem>>, vector<1x16xf32>,
          %swap3A_114 = vector.shape_cast %swap3A_113 : vector<1x16xf32> to vector<16xf32>
          %swap3A_115 = vector.shape_cast %add3A_111 : vector<16xf32> to vector<1x16xf32>
          tpu.vector_store %arg12[%swap3A, %swap3A_112], %swap3A_115 {strides = array<i32>} : memref<128x16xf32, #tpu.memory_space<vmem>>, vector<1x16xf32>,
        }
        %scan3A_27 = arith.constant 128 : i32
        "tpu.region"() ({
          %run_scoped3A = tpu.sem_alloc : memref<!tpu.dma_semaphore, #tpu.memory_space<semaphore_mem>>
          %dma_start3A_28 = arith.constant 0 : i32
          %dma_start3A_29 = tpu.memref_slice %arg7[%mul3A_12, %dma_start3A_28] : memref<320000x16xf32, #tpu.memory_space<hbm>> -> memref<128x16xf32, #tpu.memory_space<hbm>>
          %dma_start3A_30 = arith.constant 0 : i32
          %dma_start3A_31 = tpu.memref_slice %arg7[%mul3A_12, %dma_start3A_30] : memref<320000x16xf32, #tpu.memory_space<hbm>> -> memref<128x16xf32, #tpu.memory_space<hbm>>
          tpu.enqueue_dma source(%arg12 : memref<128x16xf32, #tpu.memory_space<vmem>>) target(%dma_start3A_31 : memref<128x16xf32, #tpu.memory_space<hbm>>) target_semaphore(%run_scoped3A : memref<!tpu.dma_semaphore, #tpu.memory_space<semaphore_mem>>)
          %dma_wait3A_32 = arith.constant 0 : i32
          %dma_wait3A_33 = tpu.memref_slice %arg7[%mul3A_12, %dma_wait3A_32] : memref<320000x16xf32, #tpu.memory_space<hbm>> -> memref<128x16xf32, #tpu.memory_space<hbm>>
          %dma_wait3A_34 = arith.constant 0 : i32
          %dma_wait3A_35 = tpu.memref_slice %arg7[%mul3A_12, %dma_wait3A_34] : memref<320000x16xf32, #tpu.memory_space<hbm>> -> memref<128x16xf32, #tpu.memory_space<hbm>>
          tpu.wait_dma2 semaphore(%run_scoped3A : memref<!tpu.dma_semaphore, #tpu.memory_space<semaphore_mem>>) src(%arg12 : memref<128x16xf32, #tpu.memory_space<vmem>>) dst(%dma_wait3A_35 : memref<128x16xf32, #tpu.memory_space<hbm>>)
          tpu.yield
        }) : () -> ()
      } else {
      }
    }
    %scan3A_4 = arith.constant 79 : i32
    return
  }
}

#map = affine_map<(d0, d1) -> (0, 0)>
#map1 = affine_map<(d0, d1) -> (0)>
#map2 = affine_map<(d0, d1) -> (0, 0, 0)>
module attributes {stable_mosaic.version = 14 : i64} {
  func.func @sc_message(%arg0: i32, %arg1: i32, %arg2: memref<10000x128xf32, #tpu.memory_space<hbm>>, %arg3: memref<10000x128xf32, #tpu.memory_space<hbm>>, %arg4: memref<320000x128xf32, #tpu.memory_space<hbm>>, %arg5: memref<320000xi32, #tpu.memory_space<hbm>>, %arg6: memref<320000xi32, #tpu.memory_space<hbm>>, %arg7: memref<2x10000x128xf32, #tpu.memory_space<hbm>>, %arg8: memref<10000x128xf32, #tpu.memory_space<vmem_shared>>, %arg9: memref<128xi32, #tpu.memory_space<vmem>>, %arg10: memref<128xi32, #tpu.memory_space<vmem>>, %arg11: memref<128x128xf32, #tpu.memory_space<vmem>>, %arg12: memref<128x128xf32, #tpu.memory_space<vmem>>, %arg13: memref<!tpu.dma_semaphore, #tpu.memory_space<semaphore_mem>>) attributes {dimension_semantics = [#tpu.dimension_semantics<core_parallel>, #tpu.dimension_semantics<subcore_parallel>], iteration_bounds = array<i64: 2, 16>, scalar_prefetch = 0 : i64, scratch_operands = 6 : i64, tpu.core_type = #tpu.core_type<sc_vector_subcore>, window_params = [{transform_indices = #map}, {transform_indices = #map}, {transform_indices = #map}, {transform_indices = #map1}, {transform_indices = #map1}, {transform_indices = #map2}]} {
    %mul3A = arith.constant 16 : i32
    %mul3A_0 = arith.muli %arg0, %mul3A : i32
    %add3A = arith.addi %mul3A_0, %arg1 : i32
    %mul3A_1 = arith.constant 632 : i32
    %mul3A_2 = arith.muli %arg1, %mul3A_1 : i32
    %min3A = arith.constant 9368 : i32
    %min3A_3 = arith.minsi %mul3A_2, %min3A : i32
    %multiple_of3A = tpu.assume_multiple %min3A_3, 8 : i32
    "tpu.region"() ({
      %run_scoped3A = tpu.sem_alloc : memref<!tpu.dma_semaphore, #tpu.memory_space<semaphore_mem>>
      %dma_start3A = arith.constant 0 : i32
      %dma_start3A_9 = tpu.memref_slice %arg8[%multiple_of3A, %dma_start3A] : memref<10000x128xf32, #tpu.memory_space<vmem_shared>> -> memref<632x128xf32, #tpu.memory_space<vmem_shared>>
      %dma_start3A_10 = arith.constant 0 : i32
      %dma_start3A_11 = tpu.memref_slice %arg3[%multiple_of3A, %dma_start3A_10] : memref<10000x128xf32, #tpu.memory_space<hbm>> -> memref<632x128xf32, #tpu.memory_space<hbm>>
      tpu.enqueue_dma source(%dma_start3A_11 : memref<632x128xf32, #tpu.memory_space<hbm>>) target(%dma_start3A_9 : memref<632x128xf32, #tpu.memory_space<vmem_shared>>) target_semaphore(%run_scoped3A : memref<!tpu.dma_semaphore, #tpu.memory_space<semaphore_mem>>)
      %dma_wait3A = arith.constant 0 : i32
      %dma_wait3A_12 = tpu.memref_slice %arg8[%multiple_of3A, %dma_wait3A] : memref<10000x128xf32, #tpu.memory_space<vmem_shared>> -> memref<632x128xf32, #tpu.memory_space<vmem_shared>>
      %dma_wait3A_13 = arith.constant 0 : i32
      %dma_wait3A_14 = tpu.memref_slice %arg3[%multiple_of3A, %dma_wait3A_13] : memref<10000x128xf32, #tpu.memory_space<hbm>> -> memref<632x128xf32, #tpu.memory_space<hbm>>
      tpu.wait_dma2 semaphore(%run_scoped3A : memref<!tpu.dma_semaphore, #tpu.memory_space<semaphore_mem>>) src(%dma_wait3A_14 : memref<632x128xf32, #tpu.memory_space<hbm>>) dst(%dma_wait3A_12 : memref<632x128xf32, #tpu.memory_space<vmem_shared>>)
      tpu.yield
    }) : () -> ()
    %barrier3A = arith.constant 0 : index
    tpu.barrier barrier_id(%barrier3A)
    %scan3A = arith.constant 0 : i32
    %scan3A_4 = arith.constant 79 : i32
    %scan3A_5 = arith.addi %scan3A, %scan3A_4 : i32
    %scan3A_6 = arith.constant 1 : i32
    scf.for %scan3A_9 = %scan3A to %scan3A_5 step %scan3A_6  : i32 {
      %mul3A_10 = arith.constant 32 : i32
      %mul3A_11 = arith.muli %scan3A_9, %mul3A_10 : i32
      %add3A_12 = arith.addi %mul3A_11, %add3A : i32
      %lt3A = arith.constant 2500 : i32
      %lt3A_13 = arith.cmpi slt, %add3A_12, %lt3A : i32
      %convert_element_type3A = arith.extui %lt3A_13 : i1 to i32
      %cond3A = arith.constant 0 : i32
      %cond3A_14 = arith.cmpi ne, %convert_element_type3A, %cond3A : i32
      scf.if %cond3A_14 {
        %mul3A_15 = arith.constant 128 : i32
        %mul3A_16 = arith.muli %add3A_12, %mul3A_15 : i32
        "tpu.region"() ({
          %run_scoped3A = tpu.sem_alloc : memref<!tpu.dma_semaphore, #tpu.memory_space<semaphore_mem>>
          %dma_start3A_26 = tpu.memref_slice %arg5[%mul3A_16] : memref<320000xi32, #tpu.memory_space<hbm>> -> memref<128xi32, #tpu.memory_space<hbm>>
          %dma_start3A_27 = tpu.memref_slice %arg5[%mul3A_16] : memref<320000xi32, #tpu.memory_space<hbm>> -> memref<128xi32, #tpu.memory_space<hbm>>
          tpu.enqueue_dma source(%dma_start3A_27 : memref<128xi32, #tpu.memory_space<hbm>>) target(%arg9 : memref<128xi32, #tpu.memory_space<vmem>>) target_semaphore(%run_scoped3A : memref<!tpu.dma_semaphore, #tpu.memory_space<semaphore_mem>>)
          %dma_wait3A_28 = tpu.memref_slice %arg5[%mul3A_16] : memref<320000xi32, #tpu.memory_space<hbm>> -> memref<128xi32, #tpu.memory_space<hbm>>
          %dma_wait3A_29 = tpu.memref_slice %arg5[%mul3A_16] : memref<320000xi32, #tpu.memory_space<hbm>> -> memref<128xi32, #tpu.memory_space<hbm>>
          tpu.wait_dma2 semaphore(%run_scoped3A : memref<!tpu.dma_semaphore, #tpu.memory_space<semaphore_mem>>) src(%dma_wait3A_29 : memref<128xi32, #tpu.memory_space<hbm>>) dst(%arg9 : memref<128xi32, #tpu.memory_space<vmem>>)
          tpu.yield
        }) : () -> ()
        "tpu.region"() ({
          %run_scoped3A = tpu.sem_alloc : memref<!tpu.dma_semaphore, #tpu.memory_space<semaphore_mem>>
          %dma_start3A_26 = tpu.memref_slice %arg6[%mul3A_16] : memref<320000xi32, #tpu.memory_space<hbm>> -> memref<128xi32, #tpu.memory_space<hbm>>
          %dma_start3A_27 = tpu.memref_slice %arg6[%mul3A_16] : memref<320000xi32, #tpu.memory_space<hbm>> -> memref<128xi32, #tpu.memory_space<hbm>>
          tpu.enqueue_dma source(%dma_start3A_27 : memref<128xi32, #tpu.memory_space<hbm>>) target(%arg10 : memref<128xi32, #tpu.memory_space<vmem>>) target_semaphore(%run_scoped3A : memref<!tpu.dma_semaphore, #tpu.memory_space<semaphore_mem>>)
          %dma_wait3A_28 = tpu.memref_slice %arg6[%mul3A_16] : memref<320000xi32, #tpu.memory_space<hbm>> -> memref<128xi32, #tpu.memory_space<hbm>>
          %dma_wait3A_29 = tpu.memref_slice %arg6[%mul3A_16] : memref<320000xi32, #tpu.memory_space<hbm>> -> memref<128xi32, #tpu.memory_space<hbm>>
          tpu.wait_dma2 semaphore(%run_scoped3A : memref<!tpu.dma_semaphore, #tpu.memory_space<semaphore_mem>>) src(%dma_wait3A_29 : memref<128xi32, #tpu.memory_space<hbm>>) dst(%arg10 : memref<128xi32, #tpu.memory_space<vmem>>)
          tpu.yield
        }) : () -> ()
        %dma_start3A = arith.constant 0 : i32
        %dma_start3A_17 = arith.constant 0 : i32
        %dma_start3A_18 = tpu.memref_slice %arg2[%dma_start3A, %dma_start3A_17] : memref<10000x128xf32, #tpu.memory_space<hbm>> -> memref<10000x128xf32, #tpu.memory_space<hbm>>
        tpu.enqueue_indirect_dma source(%dma_start3A_18 : memref<10000x128xf32, #tpu.memory_space<hbm>>) target(%arg11 : memref<128x128xf32, #tpu.memory_space<vmem>>) offsets(%arg9 : memref<128xi32, #tpu.memory_space<vmem>>) semaphore(%arg13 : memref<!tpu.dma_semaphore, #tpu.memory_space<semaphore_mem>>)
        "tpu.region"() ({
          %run_scoped3A = tpu.sem_alloc : memref<!tpu.dma_semaphore, #tpu.memory_space<semaphore_mem>>
          %dma_start3A_26 = arith.constant 0 : i32
          %dma_start3A_27 = tpu.memref_slice %arg4[%mul3A_16, %dma_start3A_26] : memref<320000x128xf32, #tpu.memory_space<hbm>> -> memref<128x128xf32, #tpu.memory_space<hbm>>
          %dma_start3A_28 = arith.constant 0 : i32
          %dma_start3A_29 = tpu.memref_slice %arg4[%mul3A_16, %dma_start3A_28] : memref<320000x128xf32, #tpu.memory_space<hbm>> -> memref<128x128xf32, #tpu.memory_space<hbm>>
          tpu.enqueue_dma source(%dma_start3A_29 : memref<128x128xf32, #tpu.memory_space<hbm>>) target(%arg12 : memref<128x128xf32, #tpu.memory_space<vmem>>) target_semaphore(%run_scoped3A : memref<!tpu.dma_semaphore, #tpu.memory_space<semaphore_mem>>)
          %dma_wait3A_30 = arith.constant 0 : i32
          %dma_wait3A_31 = tpu.memref_slice %arg4[%mul3A_16, %dma_wait3A_30] : memref<320000x128xf32, #tpu.memory_space<hbm>> -> memref<128x128xf32, #tpu.memory_space<hbm>>
          %dma_wait3A_32 = arith.constant 0 : i32
          %dma_wait3A_33 = tpu.memref_slice %arg4[%mul3A_16, %dma_wait3A_32] : memref<320000x128xf32, #tpu.memory_space<hbm>> -> memref<128x128xf32, #tpu.memory_space<hbm>>
          tpu.wait_dma2 semaphore(%run_scoped3A : memref<!tpu.dma_semaphore, #tpu.memory_space<semaphore_mem>>) src(%dma_wait3A_33 : memref<128x128xf32, #tpu.memory_space<hbm>>) dst(%arg12 : memref<128x128xf32, #tpu.memory_space<vmem>>)
          tpu.yield
        }) : () -> ()
        %dma_wait3A = arith.constant 0 : i32
        %dma_wait3A_19 = arith.constant 0 : i32
        %dma_wait3A_20 = tpu.memref_slice %arg2[%dma_wait3A, %dma_wait3A_19] : memref<10000x128xf32, #tpu.memory_space<hbm>> -> memref<10000x128xf32, #tpu.memory_space<hbm>>
        tpu.wait_indirect_dma semaphore(%arg13 : memref<!tpu.dma_semaphore, #tpu.memory_space<semaphore_mem>>) src(%dma_wait3A_20 : memref<10000x128xf32, #tpu.memory_space<hbm>>) dst(%arg11 : memref<128x128xf32, #tpu.memory_space<vmem>>)
        %scan3A_21 = arith.constant 0 : i32
        %scan3A_22 = arith.constant 128 : i32
        %scan3A_23 = arith.addi %scan3A_21, %scan3A_22 : i32
        %scan3A_24 = arith.constant 1 : i32
        scf.for %scan3A_26 = %scan3A_21 to %scan3A_23 step %scan3A_24  : i32 {
          %get3A = arith.index_cast %scan3A_26 : i32 to index
          %get3A_27 = arith.constant 0 : index
          %get3A_28 = tpu.vector_load %arg11[%get3A, %get3A_27] {strides = array<i32>} : memref<128x128xf32, #tpu.memory_space<vmem>>, vector<1x16xf32>,
          %get3A_29 = vector.shape_cast %get3A_28 : vector<1x16xf32> to vector<16xf32>
          %get3A_30 = arith.index_cast %scan3A_26 : i32 to index
          %get3A_31 = arith.constant 0 : index
          %get3A_32 = tpu.vector_load %arg12[%get3A_30, %get3A_31] {strides = array<i32>} : memref<128x128xf32, #tpu.memory_space<vmem>>, vector<1x16xf32>,
          %get3A_33 = vector.shape_cast %get3A_32 : vector<1x16xf32> to vector<16xf32>
          %add3A_34 = arith.addf %get3A_29, %get3A_33 : vector<16xf32>
          %max3A = arith.constant 0.000000e+00 : f32
          %max3A_35 = vector.broadcast %max3A : f32 to vector<16xf32>
          %max3A_36 = arith.maximumf %add3A_34, %max3A_35 : vector<16xf32>
          %swap3A = arith.index_cast %scan3A_26 : i32 to index
          %swap3A_37 = arith.constant 0 : index
          %swap3A_38 = tpu.vector_load %arg11[%swap3A, %swap3A_37] {strides = array<i32>} : memref<128x128xf32, #tpu.memory_space<vmem>>, vector<1x16xf32>,
          %swap3A_39 = vector.shape_cast %swap3A_38 : vector<1x16xf32> to vector<16xf32>
          %swap3A_40 = vector.shape_cast %max3A_36 : vector<16xf32> to vector<1x16xf32>
          tpu.vector_store %arg11[%swap3A, %swap3A_37], %swap3A_40 {strides = array<i32>} : memref<128x128xf32, #tpu.memory_space<vmem>>, vector<1x16xf32>,
          %get3A_41 = arith.index_cast %scan3A_26 : i32 to index
          %get3A_42 = arith.constant 16 : index
          %get3A_43 = tpu.vector_load %arg11[%get3A_41, %get3A_42] {strides = array<i32>} : memref<128x128xf32, #tpu.memory_space<vmem>>, vector<1x16xf32>,
          %get3A_44 = vector.shape_cast %get3A_43 : vector<1x16xf32> to vector<16xf32>
          %get3A_45 = arith.index_cast %scan3A_26 : i32 to index
          %get3A_46 = arith.constant 16 : index
          %get3A_47 = tpu.vector_load %arg12[%get3A_45, %get3A_46] {strides = array<i32>} : memref<128x128xf32, #tpu.memory_space<vmem>>, vector<1x16xf32>,
          %get3A_48 = vector.shape_cast %get3A_47 : vector<1x16xf32> to vector<16xf32>
          %add3A_49 = arith.addf %get3A_44, %get3A_48 : vector<16xf32>
          %max3A_50 = arith.constant 0.000000e+00 : f32
          %max3A_51 = vector.broadcast %max3A_50 : f32 to vector<16xf32>
          %max3A_52 = arith.maximumf %add3A_49, %max3A_51 : vector<16xf32>
          %swap3A_53 = arith.index_cast %scan3A_26 : i32 to index
          %swap3A_54 = arith.constant 16 : index
          %swap3A_55 = tpu.vector_load %arg11[%swap3A_53, %swap3A_54] {strides = array<i32>} : memref<128x128xf32, #tpu.memory_space<vmem>>, vector<1x16xf32>,
          %swap3A_56 = vector.shape_cast %swap3A_55 : vector<1x16xf32> to vector<16xf32>
          %swap3A_57 = vector.shape_cast %max3A_52 : vector<16xf32> to vector<1x16xf32>
          tpu.vector_store %arg11[%swap3A_53, %swap3A_54], %swap3A_57 {strides = array<i32>} : memref<128x128xf32, #tpu.memory_space<vmem>>, vector<1x16xf32>,
          %get3A_58 = arith.index_cast %scan3A_26 : i32 to index
          %get3A_59 = arith.constant 32 : index
          %get3A_60 = tpu.vector_load %arg11[%get3A_58, %get3A_59] {strides = array<i32>} : memref<128x128xf32, #tpu.memory_space<vmem>>, vector<1x16xf32>,
          %get3A_61 = vector.shape_cast %get3A_60 : vector<1x16xf32> to vector<16xf32>
          %get3A_62 = arith.index_cast %scan3A_26 : i32 to index
          %get3A_63 = arith.constant 32 : index
          %get3A_64 = tpu.vector_load %arg12[%get3A_62, %get3A_63] {strides = array<i32>} : memref<128x128xf32, #tpu.memory_space<vmem>>, vector<1x16xf32>,
          %get3A_65 = vector.shape_cast %get3A_64 : vector<1x16xf32> to vector<16xf32>
          %add3A_66 = arith.addf %get3A_61, %get3A_65 : vector<16xf32>
          %max3A_67 = arith.constant 0.000000e+00 : f32
          %max3A_68 = vector.broadcast %max3A_67 : f32 to vector<16xf32>
          %max3A_69 = arith.maximumf %add3A_66, %max3A_68 : vector<16xf32>
          %swap3A_70 = arith.index_cast %scan3A_26 : i32 to index
          %swap3A_71 = arith.constant 32 : index
          %swap3A_72 = tpu.vector_load %arg11[%swap3A_70, %swap3A_71] {strides = array<i32>} : memref<128x128xf32, #tpu.memory_space<vmem>>, vector<1x16xf32>,
          %swap3A_73 = vector.shape_cast %swap3A_72 : vector<1x16xf32> to vector<16xf32>
          %swap3A_74 = vector.shape_cast %max3A_69 : vector<16xf32> to vector<1x16xf32>
          tpu.vector_store %arg11[%swap3A_70, %swap3A_71], %swap3A_74 {strides = array<i32>} : memref<128x128xf32, #tpu.memory_space<vmem>>, vector<1x16xf32>,
          %get3A_75 = arith.index_cast %scan3A_26 : i32 to index
          %get3A_76 = arith.constant 48 : index
          %get3A_77 = tpu.vector_load %arg11[%get3A_75, %get3A_76] {strides = array<i32>} : memref<128x128xf32, #tpu.memory_space<vmem>>, vector<1x16xf32>,
          %get3A_78 = vector.shape_cast %get3A_77 : vector<1x16xf32> to vector<16xf32>
          %get3A_79 = arith.index_cast %scan3A_26 : i32 to index
          %get3A_80 = arith.constant 48 : index
          %get3A_81 = tpu.vector_load %arg12[%get3A_79, %get3A_80] {strides = array<i32>} : memref<128x128xf32, #tpu.memory_space<vmem>>, vector<1x16xf32>,
          %get3A_82 = vector.shape_cast %get3A_81 : vector<1x16xf32> to vector<16xf32>
          %add3A_83 = arith.addf %get3A_78, %get3A_82 : vector<16xf32>
          %max3A_84 = arith.constant 0.000000e+00 : f32
          %max3A_85 = vector.broadcast %max3A_84 : f32 to vector<16xf32>
          %max3A_86 = arith.maximumf %add3A_83, %max3A_85 : vector<16xf32>
          %swap3A_87 = arith.index_cast %scan3A_26 : i32 to index
          %swap3A_88 = arith.constant 48 : index
          %swap3A_89 = tpu.vector_load %arg11[%swap3A_87, %swap3A_88] {strides = array<i32>} : memref<128x128xf32, #tpu.memory_space<vmem>>, vector<1x16xf32>,
          %swap3A_90 = vector.shape_cast %swap3A_89 : vector<1x16xf32> to vector<16xf32>
          %swap3A_91 = vector.shape_cast %max3A_86 : vector<16xf32> to vector<1x16xf32>
          tpu.vector_store %arg11[%swap3A_87, %swap3A_88], %swap3A_91 {strides = array<i32>} : memref<128x128xf32, #tpu.memory_space<vmem>>, vector<1x16xf32>,
          %get3A_92 = arith.index_cast %scan3A_26 : i32 to index
          %get3A_93 = arith.constant 64 : index
          %get3A_94 = tpu.vector_load %arg11[%get3A_92, %get3A_93] {strides = array<i32>} : memref<128x128xf32, #tpu.memory_space<vmem>>, vector<1x16xf32>,
          %get3A_95 = vector.shape_cast %get3A_94 : vector<1x16xf32> to vector<16xf32>
          %get3A_96 = arith.index_cast %scan3A_26 : i32 to index
          %get3A_97 = arith.constant 64 : index
          %get3A_98 = tpu.vector_load %arg12[%get3A_96, %get3A_97] {strides = array<i32>} : memref<128x128xf32, #tpu.memory_space<vmem>>, vector<1x16xf32>,
          %get3A_99 = vector.shape_cast %get3A_98 : vector<1x16xf32> to vector<16xf32>
          %add3A_100 = arith.addf %get3A_95, %get3A_99 : vector<16xf32>
          %max3A_101 = arith.constant 0.000000e+00 : f32
          %max3A_102 = vector.broadcast %max3A_101 : f32 to vector<16xf32>
          %max3A_103 = arith.maximumf %add3A_100, %max3A_102 : vector<16xf32>
          %swap3A_104 = arith.index_cast %scan3A_26 : i32 to index
          %swap3A_105 = arith.constant 64 : index
          %swap3A_106 = tpu.vector_load %arg11[%swap3A_104, %swap3A_105] {strides = array<i32>} : memref<128x128xf32, #tpu.memory_space<vmem>>, vector<1x16xf32>,
          %swap3A_107 = vector.shape_cast %swap3A_106 : vector<1x16xf32> to vector<16xf32>
          %swap3A_108 = vector.shape_cast %max3A_103 : vector<16xf32> to vector<1x16xf32>
          tpu.vector_store %arg11[%swap3A_104, %swap3A_105], %swap3A_108 {strides = array<i32>} : memref<128x128xf32, #tpu.memory_space<vmem>>, vector<1x16xf32>,
          %get3A_109 = arith.index_cast %scan3A_26 : i32 to index
          %get3A_110 = arith.constant 80 : index
          %get3A_111 = tpu.vector_load %arg11[%get3A_109, %get3A_110] {strides = array<i32>} : memref<128x128xf32, #tpu.memory_space<vmem>>, vector<1x16xf32>,
          %get3A_112 = vector.shape_cast %get3A_111 : vector<1x16xf32> to vector<16xf32>
          %get3A_113 = arith.index_cast %scan3A_26 : i32 to index
          %get3A_114 = arith.constant 80 : index
          %get3A_115 = tpu.vector_load %arg12[%get3A_113, %get3A_114] {strides = array<i32>} : memref<128x128xf32, #tpu.memory_space<vmem>>, vector<1x16xf32>,
          %get3A_116 = vector.shape_cast %get3A_115 : vector<1x16xf32> to vector<16xf32>
          %add3A_117 = arith.addf %get3A_112, %get3A_116 : vector<16xf32>
          %max3A_118 = arith.constant 0.000000e+00 : f32
          %max3A_119 = vector.broadcast %max3A_118 : f32 to vector<16xf32>
          %max3A_120 = arith.maximumf %add3A_117, %max3A_119 : vector<16xf32>
          %swap3A_121 = arith.index_cast %scan3A_26 : i32 to index
          %swap3A_122 = arith.constant 80 : index
          %swap3A_123 = tpu.vector_load %arg11[%swap3A_121, %swap3A_122] {strides = array<i32>} : memref<128x128xf32, #tpu.memory_space<vmem>>, vector<1x16xf32>,
          %swap3A_124 = vector.shape_cast %swap3A_123 : vector<1x16xf32> to vector<16xf32>
          %swap3A_125 = vector.shape_cast %max3A_120 : vector<16xf32> to vector<1x16xf32>
          tpu.vector_store %arg11[%swap3A_121, %swap3A_122], %swap3A_125 {strides = array<i32>} : memref<128x128xf32, #tpu.memory_space<vmem>>, vector<1x16xf32>,
          %get3A_126 = arith.index_cast %scan3A_26 : i32 to index
          %get3A_127 = arith.constant 96 : index
          %get3A_128 = tpu.vector_load %arg11[%get3A_126, %get3A_127] {strides = array<i32>} : memref<128x128xf32, #tpu.memory_space<vmem>>, vector<1x16xf32>,
          %get3A_129 = vector.shape_cast %get3A_128 : vector<1x16xf32> to vector<16xf32>
          %get3A_130 = arith.index_cast %scan3A_26 : i32 to index
          %get3A_131 = arith.constant 96 : index
          %get3A_132 = tpu.vector_load %arg12[%get3A_130, %get3A_131] {strides = array<i32>} : memref<128x128xf32, #tpu.memory_space<vmem>>, vector<1x16xf32>,
          %get3A_133 = vector.shape_cast %get3A_132 : vector<1x16xf32> to vector<16xf32>
          %add3A_134 = arith.addf %get3A_129, %get3A_133 : vector<16xf32>
          %max3A_135 = arith.constant 0.000000e+00 : f32
          %max3A_136 = vector.broadcast %max3A_135 : f32 to vector<16xf32>
          %max3A_137 = arith.maximumf %add3A_134, %max3A_136 : vector<16xf32>
          %swap3A_138 = arith.index_cast %scan3A_26 : i32 to index
          %swap3A_139 = arith.constant 96 : index
          %swap3A_140 = tpu.vector_load %arg11[%swap3A_138, %swap3A_139] {strides = array<i32>} : memref<128x128xf32, #tpu.memory_space<vmem>>, vector<1x16xf32>,
          %swap3A_141 = vector.shape_cast %swap3A_140 : vector<1x16xf32> to vector<16xf32>
          %swap3A_142 = vector.shape_cast %max3A_137 : vector<16xf32> to vector<1x16xf32>
          tpu.vector_store %arg11[%swap3A_138, %swap3A_139], %swap3A_142 {strides = array<i32>} : memref<128x128xf32, #tpu.memory_space<vmem>>, vector<1x16xf32>,
          %get3A_143 = arith.index_cast %scan3A_26 : i32 to index
          %get3A_144 = arith.constant 112 : index
          %get3A_145 = tpu.vector_load %arg11[%get3A_143, %get3A_144] {strides = array<i32>} : memref<128x128xf32, #tpu.memory_space<vmem>>, vector<1x16xf32>,
          %get3A_146 = vector.shape_cast %get3A_145 : vector<1x16xf32> to vector<16xf32>
          %get3A_147 = arith.index_cast %scan3A_26 : i32 to index
          %get3A_148 = arith.constant 112 : index
          %get3A_149 = tpu.vector_load %arg12[%get3A_147, %get3A_148] {strides = array<i32>} : memref<128x128xf32, #tpu.memory_space<vmem>>, vector<1x16xf32>,
          %get3A_150 = vector.shape_cast %get3A_149 : vector<1x16xf32> to vector<16xf32>
          %add3A_151 = arith.addf %get3A_146, %get3A_150 : vector<16xf32>
          %max3A_152 = arith.constant 0.000000e+00 : f32
          %max3A_153 = vector.broadcast %max3A_152 : f32 to vector<16xf32>
          %max3A_154 = arith.maximumf %add3A_151, %max3A_153 : vector<16xf32>
          %swap3A_155 = arith.index_cast %scan3A_26 : i32 to index
          %swap3A_156 = arith.constant 112 : index
          %swap3A_157 = tpu.vector_load %arg11[%swap3A_155, %swap3A_156] {strides = array<i32>} : memref<128x128xf32, #tpu.memory_space<vmem>>, vector<1x16xf32>,
          %swap3A_158 = vector.shape_cast %swap3A_157 : vector<1x16xf32> to vector<16xf32>
          %swap3A_159 = vector.shape_cast %max3A_154 : vector<16xf32> to vector<1x16xf32>
          tpu.vector_store %arg11[%swap3A_155, %swap3A_156], %swap3A_159 {strides = array<i32>} : memref<128x128xf32, #tpu.memory_space<vmem>>, vector<1x16xf32>,
        }
        %scan3A_25 = arith.constant 128 : i32
        "tpu.region"() ({
          %run_scoped3A = tpu.sem_alloc : memref<!tpu.dma_semaphore, #tpu.memory_space<semaphore_mem>>
          %dma_start3A_26 = arith.constant 0 : i32
          %dma_start3A_27 = arith.constant 0 : i32
          %dma_start3A_28 = tpu.memref_slice %arg8[%dma_start3A_26, %dma_start3A_27] : memref<10000x128xf32, #tpu.memory_space<vmem_shared>> -> memref<10000x128xf32, #tpu.memory_space<vmem_shared>>
          tpu.enqueue_indirect_dma source(%arg11 : memref<128x128xf32, #tpu.memory_space<vmem>>) target(%dma_start3A_28 : memref<10000x128xf32, #tpu.memory_space<vmem_shared>>) offsets(%arg10 : memref<128xi32, #tpu.memory_space<vmem>>) semaphore(%run_scoped3A : memref<!tpu.dma_semaphore, #tpu.memory_space<semaphore_mem>>) {add = true}
          %dma_wait3A_29 = arith.constant 0 : i32
          %dma_wait3A_30 = arith.constant 0 : i32
          %dma_wait3A_31 = tpu.memref_slice %arg8[%dma_wait3A_29, %dma_wait3A_30] : memref<10000x128xf32, #tpu.memory_space<vmem_shared>> -> memref<10000x128xf32, #tpu.memory_space<vmem_shared>>
          tpu.wait_indirect_dma semaphore(%run_scoped3A : memref<!tpu.dma_semaphore, #tpu.memory_space<semaphore_mem>>) src(%arg11 : memref<128x128xf32, #tpu.memory_space<vmem>>) dst(%dma_wait3A_31 : memref<10000x128xf32, #tpu.memory_space<vmem_shared>>)
          tpu.yield
        }) : () -> ()
      } else {
      }
    }
    %scan3A_7 = arith.constant 79 : i32
    %barrier3A_8 = arith.constant 0 : index
    tpu.barrier barrier_id(%barrier3A_8)
    "tpu.region"() ({
      %run_scoped3A = tpu.sem_alloc : memref<!tpu.dma_semaphore, #tpu.memory_space<semaphore_mem>>
      %dma_start3A = arith.constant 0 : i32
      %dma_start3A_9 = tpu.memref_slice %arg7[%arg0, %multiple_of3A, %dma_start3A] : memref<2x10000x128xf32, #tpu.memory_space<hbm>> -> memref<1x632x128xf32, #tpu.memory_space<hbm>>
      %dma_start3A_10 = tpu.memref_squeeze %dma_start3A_9 : memref<1x632x128xf32, #tpu.memory_space<hbm>> -> memref<632x128xf32, #tpu.memory_space<hbm>>
      %dma_start3A_11 = arith.constant 0 : i32
      %dma_start3A_12 = tpu.memref_slice %arg8[%multiple_of3A, %dma_start3A_11] : memref<10000x128xf32, #tpu.memory_space<vmem_shared>> -> memref<632x128xf32, #tpu.memory_space<vmem_shared>>
      tpu.enqueue_dma source(%dma_start3A_12 : memref<632x128xf32, #tpu.memory_space<vmem_shared>>) target(%dma_start3A_10 : memref<632x128xf32, #tpu.memory_space<hbm>>) target_semaphore(%run_scoped3A : memref<!tpu.dma_semaphore, #tpu.memory_space<semaphore_mem>>)
      %dma_wait3A = arith.constant 0 : i32
      %dma_wait3A_13 = tpu.memref_slice %arg7[%arg0, %multiple_of3A, %dma_wait3A] : memref<2x10000x128xf32, #tpu.memory_space<hbm>> -> memref<1x632x128xf32, #tpu.memory_space<hbm>>
      %dma_wait3A_14 = tpu.memref_squeeze %dma_wait3A_13 : memref<1x632x128xf32, #tpu.memory_space<hbm>> -> memref<632x128xf32, #tpu.memory_space<hbm>>
      %dma_wait3A_15 = arith.constant 0 : i32
      %dma_wait3A_16 = tpu.memref_slice %arg8[%multiple_of3A, %dma_wait3A_15] : memref<10000x128xf32, #tpu.memory_space<vmem_shared>> -> memref<632x128xf32, #tpu.memory_space<vmem_shared>>
      tpu.wait_dma2 semaphore(%run_scoped3A : memref<!tpu.dma_semaphore, #tpu.memory_space<semaphore_mem>>) src(%dma_wait3A_16 : memref<632x128xf32, #tpu.memory_space<vmem_shared>>) dst(%dma_wait3A_14 : memref<632x128xf32, #tpu.memory_space<hbm>>)
      tpu.yield
    }) : () -> ()
    return
  }
}

module attributes {stable_mosaic.version = 14 : i64} {
  func.func @body(%arg0: i32, %arg1: memref<4000x16xf32, #tpu.memory_space<vmem>>, %arg2: memref<16x128xf32, #tpu.memory_space<vmem>>, %arg3: memref<1x128xf32, #tpu.memory_space<vmem>>, %arg4: memref<4000x128xf32, #tpu.memory_space<vmem>>) attributes {dimension_semantics = [#tpu.dimension_semantics<arbitrary>], iteration_bounds = array<i64: 80>, scalar_prefetch = 0 : i64, scratch_operands = 0 : i64, tpu.core_type = #tpu.core_type<tc>, window_params = [{transform_indices = @transform_0, window_bounds = array<i64: 4000, 16>}, {pipeline_mode = #tpu.pipeline_mode<synchronous>, transform_indices = @transform_1, window_bounds = array<i64: 16, 128>}, {pipeline_mode = #tpu.pipeline_mode<synchronous>, transform_indices = @transform_2, window_bounds = array<i64: 1, 128>}, {transform_indices = @transform_3, window_bounds = array<i64: 4000, 128>}]} {
    %get3A = arith.constant 0 : index
    %get3A_0 = arith.constant 0 : index
    %get3A_1 = vector.load %arg1[%get3A, %get3A_0] : memref<4000x16xf32, #tpu.memory_space<vmem>>, vector<4000x16xf32>
    %get3A_2 = arith.constant 0 : index
    %get3A_3 = arith.constant 0 : index
    %get3A_4 = vector.load %arg2[%get3A_2, %get3A_3] : memref<16x128xf32, #tpu.memory_space<vmem>>, vector<16x128xf32>
    %dot_general3A = arith.constant dense<0.000000e+00> : vector<4000x128xf32>
    %dot_general3A_5 = tpu.matmul %get3A_1, %get3A_4, %dot_general3A {dimension_numbers = #tpu.dot_dimension_numbers<[1], [0], [0], [1], [0, 0, 1, 1], [], []>, precision = #tpu.contract_precision<fp32>, transpose_lhs_hint = false} : vector<4000x16xf32>, vector<16x128xf32>, vector<4000x128xf32> -> vector<4000x128xf32>
    %get3A_6 = arith.constant 0 : index
    %get3A_7 = arith.constant 0 : index
    %get3A_8 = vector.load %arg3[%get3A_6, %get3A_7] : memref<1x128xf32, #tpu.memory_space<vmem>>, vector<1x128xf32>
    %add3A = vector.broadcast %get3A_8 : vector<1x128xf32> to vector<4000x128xf32>
    %add3A_9 = arith.addf %dot_general3A_5, %add3A : vector<4000x128xf32>
    %swap3A = arith.constant 0 : index
    %swap3A_10 = arith.constant 0 : index
    %swap3A_11 = vector.load %arg4[%swap3A, %swap3A_10] : memref<4000x128xf32, #tpu.memory_space<vmem>>, vector<4000x128xf32>
    tpu.vector_store %arg4[%swap3A, %swap3A_10], %add3A_9 {strides = array<i32>} : memref<4000x128xf32, #tpu.memory_space<vmem>>, vector<4000x128xf32>,
    return
  }
  func.func @transform_0(%arg0: i32) -> (i32, i32) {
    %c0_i32 = arith.constant 0 : i32
    %c0_i32_0 = arith.constant 0 : i32
    return %arg0, %c0_i32 : i32, i32
  }
  func.func @transform_1(%arg0: i32) -> (i32, i32) {
    %c0_i32 = arith.constant 0 : i32
    %c0_i32_0 = arith.constant 0 : i32
    %c0_i32_1 = arith.constant 0 : i32
    return %c0_i32, %c0_i32_0 : i32, i32
  }
  func.func @transform_2(%arg0: i32) -> (i32, i32) {
    %c0_i32 = arith.constant 0 : i32
    %c0_i32_0 = arith.constant 0 : i32
    %c0_i32_1 = arith.constant 0 : i32
    return %c0_i32, %c0_i32_0 : i32, i32
  }
  func.func @transform_3(%arg0: i32) -> (i32, i32) {
    %c0_i32 = arith.constant 0 : i32
    %c0_i32_0 = arith.constant 0 : i32
    return %arg0, %c0_i32 : i32, i32
  }
}

module attributes {stable_mosaic.version = 14 : i64} {
  func.func @body(%arg0: i32, %arg1: memref<1000x128xf32, #tpu.memory_space<vmem>>, %arg2: memref<1000x128xf32, #tpu.memory_space<vmem>>, %arg3: memref<1000x128xf32, #tpu.memory_space<vmem>>, %arg4: memref<128x128xf32, #tpu.memory_space<vmem>>, %arg5: memref<1x128xf32, #tpu.memory_space<vmem>>, %arg6: memref<128x128xf32, #tpu.memory_space<vmem>>, %arg7: memref<1000x128xf32, #tpu.memory_space<vmem>>) attributes {dimension_semantics = [#tpu.dimension_semantics<arbitrary>], iteration_bounds = array<i64: 10>, scalar_prefetch = 0 : i64, scratch_operands = 0 : i64, tpu.core_type = #tpu.core_type<tc>, window_params = [{transform_indices = @transform_0, window_bounds = array<i64: 1000, 128>}, {transform_indices = @transform_1, window_bounds = array<i64: 1000, 128>}, {transform_indices = @transform_2, window_bounds = array<i64: 1000, 128>}, {pipeline_mode = #tpu.pipeline_mode<synchronous>, transform_indices = @transform_3, window_bounds = array<i64: 128, 128>}, {pipeline_mode = #tpu.pipeline_mode<synchronous>, transform_indices = @transform_4, window_bounds = array<i64: 1, 128>}, {pipeline_mode = #tpu.pipeline_mode<synchronous>, transform_indices = @transform_5, window_bounds = array<i64: 128, 128>}, {transform_indices = @transform_6, window_bounds = array<i64: 1000, 128>}]} {
    %get3A = arith.constant 0 : index
    %get3A_0 = arith.constant 0 : index
    %get3A_1 = vector.load %arg1[%get3A, %get3A_0] : memref<1000x128xf32, #tpu.memory_space<vmem>>, vector<1000x128xf32>
    %get3A_2 = arith.constant 0 : index
    %get3A_3 = arith.constant 0 : index
    %get3A_4 = vector.load %arg2[%get3A_2, %get3A_3] : memref<1000x128xf32, #tpu.memory_space<vmem>>, vector<1000x128xf32>
    %add3A = arith.addf %get3A_1, %get3A_4 : vector<1000x128xf32>
    %get3A_5 = arith.constant 0 : index
    %get3A_6 = arith.constant 0 : index
    %get3A_7 = vector.load %arg3[%get3A_5, %get3A_6] : memref<1000x128xf32, #tpu.memory_space<vmem>>, vector<1000x128xf32>
    %add3A_8 = arith.addf %add3A, %get3A_7 : vector<1000x128xf32>
    %get3A_9 = arith.constant 0 : index
    %get3A_10 = arith.constant 0 : index
    %get3A_11 = vector.load %arg4[%get3A_9, %get3A_10] : memref<128x128xf32, #tpu.memory_space<vmem>>, vector<128x128xf32>
    %dot_general3A = arith.constant dense<0.000000e+00> : vector<1000x128xf32>
    %dot_general3A_12 = tpu.matmul %add3A_8, %get3A_11, %dot_general3A {dimension_numbers = #tpu.dot_dimension_numbers<[1], [0], [0], [1], [0, 0, 1, 1], [], []>, precision = #tpu.contract_precision<fp32>, transpose_lhs_hint = false} : vector<1000x128xf32>, vector<128x128xf32>, vector<1000x128xf32> -> vector<1000x128xf32>
    %get3A_13 = arith.constant 0 : index
    %get3A_14 = arith.constant 0 : index
    %get3A_15 = vector.load %arg5[%get3A_13, %get3A_14] : memref<1x128xf32, #tpu.memory_space<vmem>>, vector<1x128xf32>
    %add3A_16 = vector.broadcast %get3A_15 : vector<1x128xf32> to vector<1000x128xf32>
    %add3A_17 = arith.addf %dot_general3A_12, %add3A_16 : vector<1000x128xf32>
    %max3A = arith.constant 0.000000e+00 : f32
    %max3A_18 = vector.broadcast %max3A : f32 to vector<1000x128xf32>
    %max3A_19 = arith.maximumf %add3A_17, %max3A_18 : vector<1000x128xf32>
    %get3A_20 = arith.constant 0 : index
    %get3A_21 = arith.constant 0 : index
    %get3A_22 = vector.load %arg6[%get3A_20, %get3A_21] : memref<128x128xf32, #tpu.memory_space<vmem>>, vector<128x128xf32>
    %dot_general3A_23 = arith.constant dense<0.000000e+00> : vector<1000x128xf32>
    %dot_general3A_24 = tpu.matmul %max3A_19, %get3A_22, %dot_general3A_23 {dimension_numbers = #tpu.dot_dimension_numbers<[1], [0], [0], [1], [0, 0, 1, 1], [], []>, precision = #tpu.contract_precision<fp32>, transpose_lhs_hint = false} : vector<1000x128xf32>, vector<128x128xf32>, vector<1000x128xf32> -> vector<1000x128xf32>
    %swap3A = arith.constant 0 : index
    %swap3A_25 = arith.constant 0 : index
    %swap3A_26 = vector.load %arg7[%swap3A, %swap3A_25] : memref<1000x128xf32, #tpu.memory_space<vmem>>, vector<1000x128xf32>
    tpu.vector_store %arg7[%swap3A, %swap3A_25], %dot_general3A_24 {strides = array<i32>} : memref<1000x128xf32, #tpu.memory_space<vmem>>, vector<1000x128xf32>,
    return
  }
  func.func @transform_0(%arg0: i32) -> (i32, i32) {
    %c0_i32 = arith.constant 0 : i32
    %c0_i32_0 = arith.constant 0 : i32
    return %arg0, %c0_i32 : i32, i32
  }
  func.func @transform_1(%arg0: i32) -> (i32, i32) {
    %c0_i32 = arith.constant 0 : i32
    %c0_i32_0 = arith.constant 0 : i32
    return %arg0, %c0_i32 : i32, i32
  }
  func.func @transform_2(%arg0: i32) -> (i32, i32) {
    %c0_i32 = arith.constant 0 : i32
    %c0_i32_0 = arith.constant 0 : i32
    return %arg0, %c0_i32 : i32, i32
  }
  func.func @transform_3(%arg0: i32) -> (i32, i32) {
    %c0_i32 = arith.constant 0 : i32
    %c0_i32_0 = arith.constant 0 : i32
    %c0_i32_1 = arith.constant 0 : i32
    return %c0_i32, %c0_i32_0 : i32, i32
  }
  func.func @transform_4(%arg0: i32) -> (i32, i32) {
    %c0_i32 = arith.constant 0 : i32
    %c0_i32_0 = arith.constant 0 : i32
    %c0_i32_1 = arith.constant 0 : i32
    return %c0_i32, %c0_i32_0 : i32, i32
  }
  func.func @transform_5(%arg0: i32) -> (i32, i32) {
    %c0_i32 = arith.constant 0 : i32
    %c0_i32_0 = arith.constant 0 : i32
    %c0_i32_1 = arith.constant 0 : i32
    return %c0_i32, %c0_i32_0 : i32, i32
  }
  func.func @transform_6(%arg0: i32) -> (i32, i32) {
    %c0_i32 = arith.constant 0 : i32
    %c0_i32_0 = arith.constant 0 : i32
    return %arg0, %c0_i32 : i32, i32
  }
}

module attributes {stable_mosaic.version = 14 : i64} {
  func.func @body(%arg0: i32, %arg1: memref<4000x128xf32, #tpu.memory_space<vmem>>, %arg2: memref<128x8xf32, #tpu.memory_space<vmem>>, %arg3: memref<1x1xf32, #tpu.memory_space<vmem>>, %arg4: memref<4000x8xf32, #tpu.memory_space<vmem>>) attributes {dimension_semantics = [#tpu.dimension_semantics<arbitrary>], iteration_bounds = array<i64: 10>, scalar_prefetch = 0 : i64, scratch_operands = 0 : i64, tpu.core_type = #tpu.core_type<tc>, window_params = [{transform_indices = @transform_0, window_bounds = array<i64: 4000, 128>}, {pipeline_mode = #tpu.pipeline_mode<synchronous>, transform_indices = @transform_1, window_bounds = array<i64: 128, 8>}, {pipeline_mode = #tpu.pipeline_mode<synchronous>, transform_indices = @transform_2, window_bounds = array<i64: 1, 1>}, {transform_indices = @transform_3, window_bounds = array<i64: 4000, 8>}]} {
    %get3A = arith.constant 0 : index
    %get3A_0 = arith.constant 0 : index
    %get3A_1 = vector.load %arg1[%get3A, %get3A_0] : memref<4000x128xf32, #tpu.memory_space<vmem>>, vector<4000x128xf32>
    %get3A_2 = arith.constant 0 : index
    %get3A_3 = arith.constant 0 : index
    %get3A_4 = vector.load %arg2[%get3A_2, %get3A_3] : memref<128x8xf32, #tpu.memory_space<vmem>>, vector<128x8xf32>
    %dot_general3A = arith.constant dense<0.000000e+00> : vector<4000x8xf32>
    %dot_general3A_5 = tpu.matmul %get3A_1, %get3A_4, %dot_general3A {dimension_numbers = #tpu.dot_dimension_numbers<[1], [0], [0], [1], [0, 0, 1, 1], [], []>, precision = #tpu.contract_precision<fp32>, transpose_lhs_hint = false} : vector<4000x128xf32>, vector<128x8xf32>, vector<4000x8xf32> -> vector<4000x8xf32>
    %get3A_6 = arith.constant 0 : index
    %get3A_7 = arith.constant 0 : index
    %get3A_8 = vector.load %arg3[%get3A_6, %get3A_7] : memref<1x1xf32, #tpu.memory_space<vmem>>, vector<1x1xf32>
    %add3A = vector.broadcast %get3A_8 : vector<1x1xf32> to vector<4000x8xf32>
    %add3A_9 = arith.addf %dot_general3A_5, %add3A : vector<4000x8xf32>
    %swap3A = arith.constant 0 : index
    %swap3A_10 = arith.constant 0 : index
    %swap3A_11 = vector.load %arg4[%swap3A, %swap3A_10] : memref<4000x8xf32, #tpu.memory_space<vmem>>, vector<4000x8xf32>
    tpu.vector_store %arg4[%swap3A, %swap3A_10], %add3A_9 {strides = array<i32>} : memref<4000x8xf32, #tpu.memory_space<vmem>>, vector<4000x8xf32>,
    return
  }
  func.func @transform_0(%arg0: i32) -> (i32, i32) {
    %c0_i32 = arith.constant 0 : i32
    %c0_i32_0 = arith.constant 0 : i32
    return %arg0, %c0_i32 : i32, i32
  }
  func.func @transform_1(%arg0: i32) -> (i32, i32) {
    %c0_i32 = arith.constant 0 : i32
    %c0_i32_0 = arith.constant 0 : i32
    %c0_i32_1 = arith.constant 0 : i32
    return %c0_i32, %c0_i32_0 : i32, i32
  }
  func.func @transform_2(%arg0: i32) -> (i32, i32) {
    %c0_i32 = arith.constant 0 : i32
    %c0_i32_0 = arith.constant 0 : i32
    %c0_i32_1 = arith.constant 0 : i32
    return %c0_i32, %c0_i32_0 : i32, i32
  }
  func.func @transform_3(%arg0: i32) -> (i32, i32) {
    %c0_i32 = arith.constant 0 : i32
    %c0_i32_0 = arith.constant 0 : i32
    return %arg0, %c0_i32 : i32, i32
  }
}

</mosaic_0001>

<sc_bundles>
// kernel: sc_edge.3.cloned.1.call-start
scs
__scs_entry_jumppad:
0x0: {  	(pc) =	sbr.rel $0x88, $3  }
0x1: {  	(tag) =	ssettag $0x0;
	lr =	simm.s32 $0x1  }
0x2: {  	[smem:$0x3F96] =	sst lr;
	_ =	strace $0xD0000000  }
0x3: {  	_ = 	snop  }
0x4: {  	_ = 	snop  }
0x5: {  	_ = 	snop  }
0x6: {  	_ = 	snop  }
0x7: {  	_ = 	snop  }
__scs_overlays_trampoline_lowered:
0x8: {  	[smem:$0x3FA5] =	sst s0  }
0x9: {  	[smem:$0x3FA6] =	sst s1  }
0xa: {  	[smem:$0x3FA7] =	sst s2  }
0xb: {  	[smem:$0x3FA8] =	sst s3  }
0xc: {  	[smem:$0x3FA9] =	sst s4  }
0xd: {  	[smem:$0x3FAA] =	sst s5  }
0xe: {  	[smem:$0x3FAB] =	sst s6  }
0xf: {  	[smem:$0x3FAC] =	sst s7  }
0x10: {  	[smem:$0x3FAD] =	sst s8  }
0x11: {  	[smem:$0x3FAE] =	sst s9;
	s0 =	simm.s32 @!p0 $0x0  }
0x12: {  	s1 =	sld [smem:$0x3F94];
	s0 =	simm.s32 @p0 $0x1  }
0x13: {  	[smem:$0x3FAF] =	sst s0;
	s0 =	simm.s32 @!p1 $0x0  }
0x14: {  	s2 =	sld [smem:$0x3F93];
	s0 =	simm.s32 @p1 $0x1  }
0x15: {  	[smem:$0x3FB0] =	sst s0;
	s0 =	simm.s32 @!p2 $0x0  }
0x16: {  	s3 =	sld [smem:$0x3FDB];
	s0 =	simm.s32 @p2 $0x1  }
0x17: {  	s4 =	simm.s32 $0x1BF5;
	[smem:$0x3FB2] =	sst s0  }
0x18: {  	s0 =	sld [smem:$0x3F95];
	_ =	swait.ge [sflag:s4], $0x0  }
0x19: {  	s7 =	sld [smem:$0x3F96]  }
0x1a: {  	s8 =	sadd.s32 $0xFFFFE003, lr  }
0x1b: {  	s9 =	sadd.s32 $0xFFFFFEF7, lr;
	s5 =	simm.s32 $0xFFFFFFFF;
	p2 =	slt.u32 s8, $0xFFFFF086  }
0x1c: {  	p1 =	slt.u32 s9, $0xF7A;
	s5 =	simm.s32 @!p2 $0x0  }
0x1d: {  	s5 =	simm.s32 @p1 $0x1;
	p0 =	seq.s32 s7, s2  }
0x1e: {  	s7 =	smul.u32 @!p0 $0xF7A, s2;
	p2 =	seq.s32 @!p0 s5, $0x0  }
0x1f: {  	s9 =	smul.u32 $0xF7A, s1;
	s8 =	simm.s32 @!p0 $0x1BF5;
	p2 =	por !p2, p0  }
0x20: {  	[sflag:s8] =	ssyncset.s32 @!p0 $0xFFFFF086;
	s6 =	sadd.s32 @!p0 s3, s7;
	s7 =	simm.s32 @!p0 $0x108  }
0x21: {  	s3 =	sadd.s32 s3, s9;
	s6 =	sadd.s32 @!p0 $0x88, s6;
	s7 =	simm.s32 @p2 $0x1082  }
0x22: {  	[simem:s7], [sflag:s8] =	dma.local @!p0 [hbm:s6], $0xF7A  }
0x23: {  	s9 =	sor.u32 $0xD0000000, s2;
	s6 =	simm.s32 $0x108;
	_ =	swait.ge @!p0 [sflag:s8], $0x0  }
0x24: {  	s3 =	sadd.s32 $0x88, s3;
	s6 =	simm.s32 @!p1 $0x1082;
	[sflag:s4] =	ssyncset.s32 $0xFFFFF086  }
0x25: {  	[simem:s6], [sflag:s4] =	dma.local [hbm:s3], $0xF7A  }
0x26: {  	[smem:$0x3F96] =	sst s1;
	(tag) =	ssettag s2;
	_ =	strace s9  }
0x27: {  	s1 =	sld [smem:$0x3FA6]  }
0x28: {  	s2 =	sld [smem:$0x3FA7]  }
0x29: {  	s4 =	sld [smem:$0x3FA9]  }
0x2a: {  	p0 =	seq.s32 s5, $0x0;
	s5 =	sld [smem:$0x3FAA]  }
0x2b: {  	s6 =	sld [smem:$0x3FAB]  }
0x2c: {  	s7 =	sld [smem:$0x3FAC]  }
0x2d: {  	s3 =	simm.s32 $0x108;
	s8 =	sld [smem:$0x3FAD]  }
0x2e: {  	s3 =	simm.s32 @!p0 $0x1082;
	s9 =	sld [smem:$0x3FAE]  }
0x2f: {  	lr =	sadd.s32 s0, s3;
	s0 =	sld [smem:$0x3FA5]  }
0x30: {  	s3 =	sld [smem:$0x3FA8]  }
0x31: {  	[smem:$0x3FB1] =	sst s10  }
0x32: {  	s10 =	sld [smem:$0x3FAF];
	_ =	sdelay $0x3  }
0x33: {  	p0 =	seq.s32 s10, $0x1;
	s10 =	sld [smem:$0x3FB1];
	_ =	sdelay $0x3  }
0x34: {  	[smem:$0x3FB1] =	sst s10  }
0x35: {  	s10 =	sld [smem:$0x3FB0];
	_ =	sdelay $0x3  }
0x36: {  	p1 =	seq.s32 s10, $0x1;
	s10 =	sld [smem:$0x3FB1];
	_ =	sdelay $0x3  }
0x37: {  	[smem:$0x3FB1] =	sst s10  }
0x38: {  	s10 =	sld [smem:$0x3FB2]  }
0x39: {  	_ = 	snop;
	(pc) =	sbr.ind lr, $3  }
0x3a: {  	_ = 	snop  }
0x3b: {  	_ = 	snop  }
0x3c: {  	p2 =	seq.s32 s10, $0x1;
	s10 =	sld [smem:$0x3FB1]  }
0x3d: {  	_ =	shalt  }
0x3e: {  	_ =	shalt  }
0x3f: {  	_ =	shalt  }
0x40: {  	_ =	shalt  }
0x41: {  	_ =	shalt  }
0x42: {  	_ =	shalt  }
0x43: {  	_ =	shalt  }
0x44: {  	_ =	shalt  }
0x45: {  	_ =	shalt  }
0x46: {  	_ =	shalt  }
0x47: {  	_ =	shalt  }
0x48: {  	_ =	shalt  }
0x49: {  	_ =	shalt  }
0x4a: {  	_ =	shalt  }
0x4b: {  	_ =	shalt  }
0x4c: {  	_ =	shalt  }
0x4d: {  	_ =	shalt  }
0x4e: {  	_ =	shalt  }
0x4f: {  	_ =	shalt  }
0x50: {  	_ =	shalt  }
0x51: {  	_ =	shalt  }
0x52: {  	_ =	shalt  }
0x53: {  	_ =	shalt  }
0x54: {  	_ =	shalt  }
0x55: {  	_ =	shalt  }
0x56: {  	_ =	shalt  }
0x57: {  	_ =	shalt  }
0x58: {  	_ =	shalt  }
0x59: {  	_ =	shalt  }
0x5a: {  	_ =	shalt  }
0x5b: {  	_ =	shalt  }
0x5c: {  	_ =	shalt  }
0x5d: {  	_ =	shalt  }
0x5e: {  	_ =	shalt  }
0x5f: {  	_ =	shalt  }
0x60: {  	_ =	shalt  }
0x61: {  	_ =	shalt  }
0x62: {  	_ =	shalt  }
0x63: {  	_ =	shalt  }
0x64: {  	_ =	shalt  }
0x65: {  	_ =	shalt  }
0x66: {  	_ =	shalt  }
0x67: {  	_ =	shalt  }
0x68: {  	_ =	shalt  }
0x69: {  	_ =	shalt  }
0x6a: {  	_ =	shalt  }
0x6b: {  	_ =	shalt  }
0x6c: {  	_ =	shalt  }
0x6d: {  	_ =	shalt  }
0x6e: {  	_ =	shalt  }
0x6f: {  	_ =	shalt  }
0x70: {  	_ =	shalt  }
0x71: {  	_ =	shalt  }
0x72: {  	_ =	shalt  }
0x73: {  	_ =	shalt  }
0x74: {  	_ =	shalt  }
0x75: {  	_ =	shalt  }
0x76: {  	_ =	shalt  }
0x77: {  	_ =	shalt  }
0x78: {  	_ =	shalt  }
0x79: {  	_ =	shalt  }
0x7a: {  	_ =	shalt  }
0x7b: {  	_ =	shalt  }
0x7c: {  	_ =	shalt  }
0x7d: {  	_ =	shalt  }
0x7e: {  	_ =	shalt  }
0x7f: {  	_ =	shalt  }
0x80: {  	_ =	shalt  }
0x81: {  	_ =	shalt  }
0x82: {  	_ =	shalt  }
0x83: {  	_ =	shalt  }
0x84: {  	_ =	shalt  }
0x85: {  	_ =	shalt  }
0x86: {  	_ =	shalt  }
0x87: {  	_ =	shalt  }
.Lfunc_end0:
.L_simem_size_0:
called_computation.1_lowered:
.L_overlay_start_0:
0x88: {  	s2 =	sld [smem:$0x3FD9]  }
0x89: {  	s3 =	sld [smem:$0x3FFE];
	_ =	sdelay $0x1  }
0x8a: {  	s1 =	srdreg.scid  }
0x8b: {  	s0 =	sand.u32 $0x1, s1  }
0x8c: {  	s17 =	sshll.u32 s0, $0xA;
	s2 =	sadd.s32 s3, s2  }
0x8d: {  	s2 =	sadd.s32 s2, s17  }
0x8e: {  	[smem:$0x3FBD] =	sst s2  }
0x8f: {  	_ = 	snop  }
0x90: {  	s2 =	sld [smem:$0x3FC1]  }
0x91: {  	s18 =	sld [smem:$0x3FC0];
	(tm) =	ssettm $0x1  }
0x92: {  	s4 =	sld [smem:$0x3FFB];
	_ =	sdelay $0x3  }
0x93: {  	_ =	strace s4  }
0x94: {  	s4 =	sld [smem:$0x3FFC];
	_ =	sdelay $0x3  }
0x95: {  	_ =	strace s4  }
0x96: {  	s4 =	sld [smem:$0x3FFD];
	_ =	sdelay $0x3  }
0x97: {  	_ =	strace s4  }
0x98: {  	_ =	strace $0x8FFFFFFF  }
0x99: {  	s19 =	sld [smem:$0x3FDB];
	_ =	sdelay $0x1  }
0x9a: {  	s5 =	simm.s32 $_scs_section_size  }
0x9b: {  	s6 =	simm.s32 $_size__tile_overlayer_lowered;
	s7 =	simm.s32 $_tile_overlayer_lowered  }
0x9c: {  	s22 =	simm.s32 $0x1BFF;
	s21 =	sshll.u32 s7, $0x1;
	s4 =	sadd.s32 s5, s19  }
0x9d: {  	s8 =	simm.s32 $0x0;
	s20 =	sshll.u32 s6, $0x1;
	s6 =	sadd.s32 s21, s4  }
0x9e: {  	[timem:s8], [sflag:s22] =	dma.local [hbm:s6], s20  }
0x9f: {  	_ =	swait.ge [sflag:s22], s20  }
0xa0: {  	s5 =	ssub.s32 $0x0, s20;
	[sflag:s22] =	ssyncset.done $0x0  }
0xa1: {  	[sflag:s22] =	ssyncadd.s32 s5;
	_ =	sdelay $0x1  }
0xa2: {  	s23 =	simm.s32 $0x1B8B  }
0xa3: {  	_ =	swait.ge [sflag:s23], $0x1  }
0xa4: {  	[sflag:s23] =	ssyncset.done $0x0  }
0xa5: {  	s25 =	simm.s32 $0x1B8E;
	s24 =	sld [smem:$0x3FFE];
	[sflag:s23] =	ssyncadd.s32 $0xFFFFFFFF  }
0xa6: {  	s26 =	simm.s32 $execute0_lowered;
	[smem:$0x3FD2] =	sst s25  }
0xa7: {  	s6 =	sshll.u32 s26, $0x1;
	_ =	strace $0x80000049;
	[dreg:$0x1] =	wrdreg $0xFFFFFFFF  }
0xa8: {  	s28 =	simm.s32 $_size_execute0_lowered;
	s4 =	sadd.s32 s4, s6;
	[dreg:$0x0] =	wrdreg $0x0  }
0xa9: {  	s6 =	sshll.u32 s28, $0x1;
	[dreg:$0x2] =	wrdreg s4  }
0xaa: {  	[dreg:$0x3] =	wrdreg s6  }
0xab: {  	[dreg:$0x4] =	wrdreg $0xC0  }
0xac: {  	_ =	task [dreg:s8], $0x5FFFF  }
0xad: {  	[dreg:$0x1] =	wrdreg $0xFFFFFFFF  }
0xae: {  	[dreg:$0x0] =	wrdreg $0x60  }
0xaf: {  	[dreg:$0x2] =	wrdreg s24  }
0xb0: {  	[dreg:$0x3] =	wrdreg s2  }
0xb1: {  	[dreg:$0x4] =	wrdreg s18  }
0xb2: {  	[dreg:$0x5] =	wrdreg $0x9  }
0xb3: {  	_ =	task.clear_ibuf [dreg:s8], $0x6FFFF;
	_ =	strace $0x90000049  }
0xb4: {  	s29 =	simm.s32 $0x9;
	_ =	strace $0x8000004B  }
0xb5: {  	_ =	swait.ge [sflag:s29], $0x1  }
0xb6: {  	[sflag:s29] =	ssyncadd.s32 $0xFFFFFFFF  }
0xb7: {  	_ =	strace $0x9000004B  }
0xb8: {  	_ =	sfence  }
0xb9: {  	s30 =	sld [smem:$0x0];
	_ =	sdelay $0x2  }
0xba: {  	s31 =	sshll.u32 s1, $0xD;
	s1 =	sshrl.u32 s1, $0x2  }
0xbb: {  	s3 =	sand.u32 $0x4000, s31;
	s1 =	sadd.s32 s1, s30  }
0xbc: {  	s0 =	sor.u32 s3, s0;
	s1 =	sshll.u32 s1, $0x11  }
0xbd: {  	s0 =	sor.u32 s1, s0  }
0xbe: {  	s0 =	sadd.s32 $0x8F2B, s0  }
0xbf: {  	[sflag:s0] =	ssyncadd.remote.s32 $0x1  }
0xc0: {  	_ =	sfence.sel $0xFFFF  }
0xc1: {  	[dreg:$0x0] =	wrdreg $0xFFFFFFFF;
	(pc) =	sbr.abs _section_cstart, $3  }
0xc2: {  	[dreg:$0x1] =	wrdreg $0xFFFFFFFF  }
0xc3: {  	_ =	task.clear_ibuf [dreg:s8], $0x2FFFF;
	_ =	strace $0x9FFFFFFF  }
0xc4: {  	(tm) =	ssettm $0x7FFFFFFF  }
0xc5: {  	_ =	shalt  }
tec
execute0_lowered:
.L_overlay_start_1:
0x0: {  	(tag) =	ssettag $0x1  }
0x1: {  	s6 =	rddreg [dreg:$0x0]  }
0x2: {  	s1 =	rddreg [dreg:$0x1]  }
0x3: {  	s2 =	rddreg [dreg:$0x2]  }
0x4: {  	s0 =	rddreg [dreg:$0x3]  }
0x5: {  	s3 =	simm.s32 $0x0;
	s4 =	srdreg.scid;
	s12 =	simm.s32 $0x3  }
0x6: {  	s13 =	simm.s32 $0xC180;
	s14 =	simm.s32 $0x4;
	s15 =	simm.s32 $0x80  }
0x7: {  	s16 =	simm.s32 $0x100;
	s17 =	simm.s32 $0x4100;
	s18 =	simm.s32 $0x1  }
0x8: {  	s19 =	simm.s32 $0x2;
	s20 =	simm.s32 $0x8100;
	s21 =	simm.s32 $0x0  }
.Ltmp0:
0x9: {  	[smem:$0x7FF] =	sst s3;
	s9 =	sand.u32 $0x1, s4;
	(pc) =	sbr.rel .LBB2_1-.Ltmp0, $4  }
0xa: {  	s4 =	sadd.s32 $0x15000, s6;
	s5 =	sadd.s32 $0xB200, s6;
	s10 =	ssub.s32 $0x2, s9  }
0xb: {  	s7 =	sadd.s32 $0x1400, s6;
	s8 =	sadd.s32 $0x3C200, s6;
	s11 =	sshrl.u32 s10, $0x1  }
0xc: {  	s6 =	stileid.u32;
	_ =	strace $0x8000004A;
	s10 =	ssub.s32 s10, s11  }
0xd: {  	s9 =	sshll.u32 s9, $0x4;
	s11 =	simm.s32 $0xC100;
	s10 =	smax.u32 s10, $0x1  }
.LBB2_7:
0xe: {  	s21 =	sadd.s32 $0x1, s21  }
0xf: {  	p0 =	sne.s32 s21, s10  }
.Ltmp1:
0x10: {  	_ = 	snop;
	(pc) =	sbr.rel @!p0 .LBB2_8-.Ltmp1, $1  }
0x11: {  	_ =	sdelay $0x3  }
.LBB2_1:
0x12: {  	[tilespmem:s11], [sflag:$0x3] =	stream.linear.gather [hbm4b:s1+s3], $0x80, $0x38;
	[tilespmem:$0xC200] =	vst v63  }
0x13: {  	_ =	swait.ge [sflag:s12], $0x80  }
0x14: {  	[sflag:s12] =	ssyncset.done $0x0  }
.Ltmp2:
0x15: {  	[sflag:s12] =	ssyncadd.s32 $0xFFFFFF80;
	(pc) =	sbr.rel .LBB2_2-.Ltmp2, $4  }
0x16: {  	[tilespmem:s13], [sflag:$0x3] =	stream.linear.gather [hbm4b:s2+s3], $0x80, $0x38;
	[tilespmem:$0xC200] =	vst v63  }
0x17: {  	_ =	swait.ge [sflag:s12], $0x80  }
0x18: {  	[sflag:s12] =	ssyncset.done $0x0  }
0x19: {  	s22 =	simm.s32 $0x0;
	[sflag:s12] =	ssyncadd.s32 $0xFFFFFF80  }
.LBB2_6:
0x1a: {  	s22 =	sadd.s32 $0x1, s22  }
0x1b: {  	p0 =	sne.s32 s22, $0x4F  }
.Ltmp3:
0x1c: {  	_ = 	snop;
	(pc) =	sbr.rel @!p0 .LBB2_7-.Ltmp3, $1  }
0x1d: {  	_ =	sdelay $0x3  }
.LBB2_2:
0x1e: {  	s23 =	sshll.u32 s22, $0x5  }
0x1f: {  	s23 =	sor.u32 s23, s9  }
0x20: {  	s23 =	sor.u32 s6, s23  }
0x21: {  	p0 =	sgt.u32 s23, $0x9C3  }
.Ltmp4:
0x22: {  	_ = 	snop;
	(pc) =	sbr.rel @p0 .LBB2_6-.Ltmp4, $1  }
0x23: {  	_ =	sdelay $0x3  }
0x24: {  	s24 =	sshll.u32 s23, $0x4  }
0x25: {  	s26 =	simm.s32 $0x0;
	s25 =	sadd.s32 s5, s24  }
0x26: {  	[tilespmem:s26], [sflag:$0x4] =	stream.linear.gather [hbm4b:s25+s26], $0x80, $0x38;
	[tilespmem:$0xC200] =	vst v63  }
0x27: {  	_ =	swait.ge [sflag:s14], $0x80  }
0x28: {  	[sflag:s14] =	ssyncset.done $0x0  }
0x29: {  	s24 =	sadd.s32 s7, s24;
	[sflag:s14] =	ssyncadd.s32 $0xFFFFFF80  }
0x2a: {  	[tilespmem:s15], [sflag:$0x4] =	stream.linear.gather [hbm4b:s24+s26], $0x80, $0x38;
	[tilespmem:$0xC200] =	vst v63  }
0x2b: {  	_ =	swait.ge [sflag:s14], $0x80  }
0x2c: {  	[sflag:s14] =	ssyncset.done $0x0  }
0x2d: {  	[sflag:s14] =	ssyncadd.s32 $0xFFFFFF80  }
0x2e: {  	[tilespmem:s16], [sflag:$0x1] =	stream.indirect.gather [hbm4b:s4+s15], $0x80, s26, s15, $0xb8;
	[tilespmem:$0xC200] =	vst v63  }
0x2f: {  	_ = 	snop  }
0x30: {  	[tilespmem:s17], [sflag:$0x2] =	stream.indirect.gather [hbm4b:s4+s15], $0x80, s15, s15, $0xb8;
	[tilespmem:$0xC200] =	vst v63  }
0x31: {  	_ =	swait.ge [sflag:s18], $0x4000  }
0x32: {  	[sflag:s18] =	ssyncset.done $0x0  }
0x33: {  	[sflag:s18] =	ssyncadd.s32 $0xFFFFC000  }
0x34: {  	_ =	swait.ge [sflag:s19], $0x4000  }
0x35: {  	[sflag:s19] =	ssyncset.done $0x0  }
0x36: {  	s24 =	simm.s32 $0x0;
	[sflag:s19] =	ssyncadd.s32 $0xFFFFC000  }
0x37: {  	v0 =	vld [tilespmem:s24+$0x130]  }
0x38: {  	v1 =	vld [tilespmem:s24+$0x4170]  }
0x39: {  	v2 =	vld [tilespmem:s24+$0x120]  }
0x3a: {  	v3 =	vld [tilespmem:s24+$0x110]  }
0x3b: {  	v4 =	vld [tilespmem:s24+$0x100]  }
0x3c: {  	v5 =	vld [tilespmem:s24+$0x4140]  }
0x3d: {  	v6 =	vld [tilespmem:s24+$0x4150]  }
0x3e: {  	v7 =	vld [tilespmem:$0xC100]  }
0x3f: {  	v8 =	vld [tilespmem:s24+$0x4160]  }
0x40: {  	v9 =	vld [tilespmem:$0xC110]  }
0x41: {  	v4 =	vadd.f32 v5, v4;
	v5 =	vld [tilespmem:$0xC180]  }
0x42: {  	v10 =	vld [tilespmem:$0xC120]  }
0x43: {  	v3 =	vadd.f32 v6, v3;
	v6 =	vld [tilespmem:$0xC190];
	v4 =	vadd.f32 v7, v4  }
0x44: {  	v7 =	vld [tilespmem:$0xC130]  }
0x45: {  	v63 =	vld [tilespmem:$0xC1A0];
	v2 =	vadd.f32 v8, v2;
	v3 =	vadd.f32 v9, v3;
	v4 =	vmax.f32 v4, $0.0e+00  }
0x46: {  	v4 =	vmul.f32 v4, v5  }
0x47: {  	v0 =	vadd.f32 v1, v0;
	v2 =	vadd.f32 v10, v2;
	v3 =	vmax.f32 v3, $0.0e+00;
	v5 =	vld [tilespmem:$0xC1B0]  }
0x48: {  	v3 =	vmul.f32 v3, v6;
	v1 =	vadd.f32 $0.0e+00, v4  }
0x49: {  	s25 =	simm.s32 $0x80;
	v2 =	vmax.f32 v2, $0.0e+00;
	v4 =	vadd.f32 v7, v0  }
0x4a: {  	v6 =	vmul.f32 v2, v63;
	v2 =	vld [tilespmem:s25+$0x120];
	v3 =	vadd.f32 v3, v1  }
0x4b: {  	v0 =	vld [tilespmem:s25+$0x130];
	v4 =	vmax.f32 v4, $0.0e+00  }
0x4c: {  	v1 =	vld [tilespmem:s25+$0x4170];
	v5 =	vmul.f32 v4, v5;
	v6 =	vadd.f32 v6, v3  }
0x4d: {  	v4 =	vld [tilespmem:s25+$0x100]  }
0x4e: {  	s26 =	simm.s32 $0x400;
	v3 =	vld [tilespmem:s25+$0x110];
	v5 =	vadd.f32 v5, v6  }
.LBB2_4:
0x4f: {  	p0 =	sne.s32 s26, $0xFE00;
	v6 =	vld [tilespmem:s25+$0x4140]  }
0x50: {  	v7 =	vld [tilespmem:s25+$0x4150];
	[tilespmem:s24+$0x8100] =	vst v5;
	s24 =	smov.u32 s25  }
0x51: {  	v5 =	vld [tilespmem:$0xC100]  }
0x52: {  	v8 =	vld [tilespmem:s24+$0x4160]  }
0x53: {  	v9 =	vld [tilespmem:$0xC110]  }
0x54: {  	v4 =	vadd.f32 v6, v4;
	v6 =	vld [tilespmem:$0xC180]  }
0x55: {  	v10 =	vld [tilespmem:$0xC120]  }
0x56: {  	v3 =	vadd.f32 v7, v3;
	v4 =	vadd.f32 v5, v4;
	v5 =	vld [tilespmem:$0xC190]  }
0x57: {  	v7 =	vld [tilespmem:$0xC130]  }
0x58: {  	v2 =	vadd.f32 v8, v2;
	v4 =	vmax.f32 v4, $0.0e+00;
	v3 =	vadd.f32 v9, v3;
	v8 =	vld [tilespmem:$0xC1A0]  }
0x59: {  	v4 =	vmul.f32 v4, v6  }
0x5a: {  	v0 =	vadd.f32 v1, v0;
	v3 =	vmax.f32 v3, $0.0e+00;
	v2 =	vadd.f32 v10, v2;
	v6 =	vld [tilespmem:$0xC1B0]  }
0x5b: {  	v1 =	vadd.f32 $0.0e+00, v4;
	v3 =	vmul.f32 v3, v5  }
0x5c: {  	s25 =	sshra.s32 s26, $0x2;
	v2 =	vmax.f32 v2, $0.0e+00;
	v4 =	vadd.f32 v7, v0  }
.Ltmp5:
0x5d: {  	v0 =	vld [tilespmem:s25+$0x130];
	v3 =	vadd.f32 v3, v1;
	v5 =	vmul.f32 v2, v8;
	(pc) =	sbr.rel @p0 .LBB2_4-.Ltmp5, $4  }
0x5e: {  	v1 =	vld [tilespmem:s25+$0x4170];
	v4 =	vmax.f32 v4, $0.0e+00  }
0x5f: {  	v2 =	vld [tilespmem:s25+$0x120];
	v5 =	vadd.f32 v5, v3;
	v6 =	vmul.f32 v4, v6  }
0x60: {  	v3 =	vld [tilespmem:s25+$0x110]  }
0x61: {  	s26 =	sadd.s32 $0x200, s26;
	v4 =	vld [tilespmem:s25+$0x100];
	v5 =	vadd.f32 v6, v5  }
0x62: {  	v6 =	vld [tilespmem:s25+$0x4140]  }
0x63: {  	v7 =	vld [tilespmem:s25+$0x4150];
	[tilespmem:s24+$0x8100] =	vst v5  }
0x64: {  	v5 =	vld [tilespmem:$0xC100]  }
0x65: {  	v8 =	vld [tilespmem:s25+$0x4160]  }
0x66: {  	v9 =	vld [tilespmem:$0xC110]  }
0x67: {  	v59 =	vld [tilespmem:$0xC180];
	v4 =	vadd.f32 v6, v4  }
0x68: {  	v10 =	vld [tilespmem:$0xC120]  }
0x69: {  	v60 =	vld [tilespmem:$0xC190];
	v3 =	vadd.f32 v7, v3;
	v4 =	vadd.f32 v5, v4  }
0x6a: {  	v61 =	vld [tilespmem:$0xC130]  }
0x6b: {  	v62 =	vld [tilespmem:$0xC1A0];
	v3 =	vadd.f32 v9, v3;
	v2 =	vadd.f32 v8, v2;
	v4 =	vmax.f32 v4, $0.0e+00  }
0x6c: {  	v4 =	vmul.f32 v4, v59  }
0x6d: {  	v0 =	vadd.f32 v1, v0;
	v63 =	vld [tilespmem:$0xC1B0];
	v3 =	vmax.f32 v3, $0.0e+00;
	v2 =	vadd.f32 v10, v2  }
0x6e: {  	v3 =	vmul.f32 v3, v60;
	v4 =	vadd.f32 $0.0e+00, v4  }
0x6f: {  	v0 =	vadd.f32 v61, v0;
	v2 =	vmax.f32 v2, $0.0e+00  }
0x70: {  	v2 =	vmul.f32 v2, v62;
	v3 =	vadd.f32 v3, v4  }
0x71: {  	v0 =	vmax.f32 v0, $0.0e+00  }
0x72: {  	v0 =	vmul.f32 v0, v63;
	v2 =	vadd.f32 v2, v3;
	_ =	sdelay $0x1  }
0x73: {  	v0 =	vadd.f32 v0, v2  }
0x74: {  	s23 =	sshll.u32 s23, $0xB  }
.Ltmp6:
0x75: {  	s23 =	sadd.s32 s8, s23;
	[tilespmem:s25+$0x8100] =	vst v0;
	(pc) =	sbr.rel .LBB2_6-.Ltmp6, $4  }
0x76: {  	[hbm4b:s23+s3] =	stream.linear.scatter [tilespmem:s20], [sflag:$0x3], $0x4000, $0x38;
	[tilespmem:$0xC200] =	vst v63  }
0x77: {  	_ =	swait.ge [sflag:s12], $0x4000  }
0x78: {  	[sflag:s12] =	ssyncset.done $0x0  }
0x79: {  	[sflag:s12] =	ssyncadd.s32 $0xFFFFC000  }
.LBB2_8:
0x7a: {  	_ =	sfence.sel $0x180000  }
0x7b: {  	[bflag:$0x0] =	sbarrier.arrive $0xFFFF  }
0x7c: {  	p0 =	sne.s32 s6, $0x0;
	_ =	strace $0x9000004A  }
0x7d: {  	s0 =	sadd.s32 @!p0 $0x100000, s0;
	[bflag:$0x2] =	sbarrier.arrive $0xFFFF  }
0x7e: {  	[sflag:s0] =	ssyncadd.tile.s32 @!p0 $0x1;
	_ =	shalt  }
.Lfunc_end2:
_tile_overlayer_lowered:
.L_overlay_start_2:
0x7f: {  	(tag) =	ssettag $0x2  }
0x80: {  	s0 =	rddreg [dreg:$0x0];
	s2 =	stileid.u32  }
0x81: {  	s1 =	rddreg [dreg:$0x1];
	p0 =	sne.s32 s2, $0x0  }
0x82: {  	s3 =	rddreg [dreg:$0x2];
	[bflag:$0x3] =	sbarrier.arrive $0xFFFF;
	s2 =	simm.s32 @!p0 $0x1C03  }
0x83: {  	[timem:s3], [sflag:s2] =	dma.local @!p0 [hbm:s0], s1  }
0x84: {  	s0 =	simm.s32 @!p0 $0x3  }
0x85: {  	_ =	swait.ge @!p0 [sflag:s0], s1  }
0x86: {  	s1 =	ssub.s32 @!p0 $0x0, s1;
	[sflag:s0] =	ssyncset.done @!p0 $0x0  }
0x87: {  	[sflag:s0] =	ssyncadd.s32 @!p0 s1  }
0x88: {  	[bflag:$0x3] =	sbarrier.arrive $0xFFFF  }
0x89: {  	_ =	shalt  }

// kernel: sc_message.3.cloned.1.call-start
scs
__scs_entry_jumppad:
0x0: {  	(pc) =	sbr.rel $0x88, $3  }
0x1: {  	(tag) =	ssettag $0x0;
	lr =	simm.s32 $0x1  }
0x2: {  	[smem:$0x3F96] =	sst lr;
	_ =	strace $0xD0000000  }
0x3: {  	_ = 	snop  }
0x4: {  	_ = 	snop  }
0x5: {  	_ = 	snop  }
0x6: {  	_ = 	snop  }
0x7: {  	_ = 	snop  }
__scs_overlays_trampoline_lowered:
0x8: {  	[smem:$0x3FA5] =	sst s0  }
0x9: {  	[smem:$0x3FA6] =	sst s1  }
0xa: {  	[smem:$0x3FA7] =	sst s2  }
0xb: {  	[smem:$0x3FA8] =	sst s3  }
0xc: {  	[smem:$0x3FA9] =	sst s4  }
0xd: {  	[smem:$0x3FAA] =	sst s5  }
0xe: {  	[smem:$0x3FAB] =	sst s6  }
0xf: {  	[smem:$0x3FAC] =	sst s7  }
0x10: {  	[smem:$0x3FAD] =	sst s8  }
0x11: {  	[smem:$0x3FAE] =	sst s9;
	s0 =	simm.s32 @!p0 $0x0  }
0x12: {  	s1 =	sld [smem:$0x3F94];
	s0 =	simm.s32 @p0 $0x1  }
0x13: {  	[smem:$0x3FAF] =	sst s0;
	s0 =	simm.s32 @!p1 $0x0  }
0x14: {  	s2 =	sld [smem:$0x3F93];
	s0 =	simm.s32 @p1 $0x1  }
0x15: {  	[smem:$0x3FB0] =	sst s0;
	s0 =	simm.s32 @!p2 $0x0  }
0x16: {  	s3 =	sld [smem:$0x3FDB];
	s0 =	simm.s32 @p2 $0x1  }
0x17: {  	s4 =	simm.s32 $0x1BF5;
	[smem:$0x3FB2] =	sst s0  }
0x18: {  	s0 =	sld [smem:$0x3F95];
	_ =	swait.ge [sflag:s4], $0x0  }
0x19: {  	s7 =	sld [smem:$0x3F96]  }
0x1a: {  	s8 =	sadd.s32 $0xFFFFE003, lr  }
0x1b: {  	s9 =	sadd.s32 $0xFFFFFEF7, lr;
	s5 =	simm.s32 $0xFFFFFFFF;
	p2 =	slt.u32 s8, $0xFFFFF086  }
0x1c: {  	p1 =	slt.u32 s9, $0xF7A;
	s5 =	simm.s32 @!p2 $0x0  }
0x1d: {  	s5 =	simm.s32 @p1 $0x1;
	p0 =	seq.s32 s7, s2  }
0x1e: {  	s7 =	smul.u32 @!p0 $0xF7A, s2;
	p2 =	seq.s32 @!p0 s5, $0x0  }
0x1f: {  	s9 =	smul.u32 $0xF7A, s1;
	s8 =	simm.s32 @!p0 $0x1BF5;
	p2 =	por !p2, p0  }
0x20: {  	[sflag:s8] =	ssyncset.s32 @!p0 $0xFFFFF086;
	s6 =	sadd.s32 @!p0 s3, s7;
	s7 =	simm.s32 @!p0 $0x108  }
0x21: {  	s3 =	sadd.s32 s3, s9;
	s6 =	sadd.s32 @!p0 $0x88, s6;
	s7 =	simm.s32 @p2 $0x1082  }
0x22: {  	[simem:s7], [sflag:s8] =	dma.local @!p0 [hbm:s6], $0xF7A  }
0x23: {  	s9 =	sor.u32 $0xD0000000, s2;
	s6 =	simm.s32 $0x108;
	_ =	swait.ge @!p0 [sflag:s8], $0x0  }
0x24: {  	s3 =	sadd.s32 $0x88, s3;
	s6 =	simm.s32 @!p1 $0x1082;
	[sflag:s4] =	ssyncset.s32 $0xFFFFF086  }
0x25: {  	[simem:s6], [sflag:s4] =	dma.local [hbm:s3], $0xF7A  }
0x26: {  	[smem:$0x3F96] =	sst s1;
	(tag) =	ssettag s2;
	_ =	strace s9  }
0x27: {  	s1 =	sld [smem:$0x3FA6]  }
0x28: {  	s2 =	sld [smem:$0x3FA7]  }
0x29: {  	s4 =	sld [smem:$0x3FA9]  }
0x2a: {  	p0 =	seq.s32 s5, $0x0;
	s5 =	sld [smem:$0x3FAA]  }
0x2b: {  	s6 =	sld [smem:$0x3FAB]  }
0x2c: {  	s7 =	sld [smem:$0x3FAC]  }
0x2d: {  	s3 =	simm.s32 $0x108;
	s8 =	sld [smem:$0x3FAD]  }
0x2e: {  	s3 =	simm.s32 @!p0 $0x1082;
	s9 =	sld [smem:$0x3FAE]  }
0x2f: {  	lr =	sadd.s32 s0, s3;
	s0 =	sld [smem:$0x3FA5]  }
0x30: {  	s3 =	sld [smem:$0x3FA8]  }
0x31: {  	[smem:$0x3FB1] =	sst s10  }
0x32: {  	s10 =	sld [smem:$0x3FAF];
	_ =	sdelay $0x3  }
0x33: {  	p0 =	seq.s32 s10, $0x1;
	s10 =	sld [smem:$0x3FB1];
	_ =	sdelay $0x3  }
0x34: {  	[smem:$0x3FB1] =	sst s10  }
0x35: {  	s10 =	sld [smem:$0x3FB0];
	_ =	sdelay $0x3  }
0x36: {  	p1 =	seq.s32 s10, $0x1;
	s10 =	sld [smem:$0x3FB1];
	_ =	sdelay $0x3  }
0x37: {  	[smem:$0x3FB1] =	sst s10  }
0x38: {  	s10 =	sld [smem:$0x3FB2]  }
0x39: {  	_ = 	snop;
	(pc) =	sbr.ind lr, $3  }
0x3a: {  	_ = 	snop  }
0x3b: {  	_ = 	snop  }
0x3c: {  	p2 =	seq.s32 s10, $0x1;
	s10 =	sld [smem:$0x3FB1]  }
0x3d: {  	_ =	shalt  }
0x3e: {  	_ =	shalt  }
0x3f: {  	_ =	shalt  }
0x40: {  	_ =	shalt  }
0x41: {  	_ =	shalt  }
0x42: {  	_ =	shalt  }
0x43: {  	_ =	shalt  }
0x44: {  	_ =	shalt  }
0x45: {  	_ =	shalt  }
0x46: {  	_ =	shalt  }
0x47: {  	_ =	shalt  }
0x48: {  	_ =	shalt  }
0x49: {  	_ =	shalt  }
0x4a: {  	_ =	shalt  }
0x4b: {  	_ =	shalt  }
0x4c: {  	_ =	shalt  }
0x4d: {  	_ =	shalt  }
0x4e: {  	_ =	shalt  }
0x4f: {  	_ =	shalt  }
0x50: {  	_ =	shalt  }
0x51: {  	_ =	shalt  }
0x52: {  	_ =	shalt  }
0x53: {  	_ =	shalt  }
0x54: {  	_ =	shalt  }
0x55: {  	_ =	shalt  }
0x56: {  	_ =	shalt  }
0x57: {  	_ =	shalt  }
0x58: {  	_ =	shalt  }
0x59: {  	_ =	shalt  }
0x5a: {  	_ =	shalt  }
0x5b: {  	_ =	shalt  }
0x5c: {  	_ =	shalt  }
0x5d: {  	_ =	shalt  }
0x5e: {  	_ =	shalt  }
0x5f: {  	_ =	shalt  }
0x60: {  	_ =	shalt  }
0x61: {  	_ =	shalt  }
0x62: {  	_ =	shalt  }
0x63: {  	_ =	shalt  }
0x64: {  	_ =	shalt  }
0x65: {  	_ =	shalt  }
0x66: {  	_ =	shalt  }
0x67: {  	_ =	shalt  }
0x68: {  	_ =	shalt  }
0x69: {  	_ =	shalt  }
0x6a: {  	_ =	shalt  }
0x6b: {  	_ =	shalt  }
0x6c: {  	_ =	shalt  }
0x6d: {  	_ =	shalt  }
0x6e: {  	_ =	shalt  }
0x6f: {  	_ =	shalt  }
0x70: {  	_ =	shalt  }
0x71: {  	_ =	shalt  }
0x72: {  	_ =	shalt  }
0x73: {  	_ =	shalt  }
0x74: {  	_ =	shalt  }
0x75: {  	_ =	shalt  }
0x76: {  	_ =	shalt  }
0x77: {  	_ =	shalt  }
0x78: {  	_ =	shalt  }
0x79: {  	_ =	shalt  }
0x7a: {  	_ =	shalt  }
0x7b: {  	_ =	shalt  }
0x7c: {  	_ =	shalt  }
0x7d: {  	_ =	shalt  }
0x7e: {  	_ =	shalt  }
0x7f: {  	_ =	shalt  }
0x80: {  	_ =	shalt  }
0x81: {  	_ =	shalt  }
0x82: {  	_ =	shalt  }
0x83: {  	_ =	shalt  }
0x84: {  	_ =	shalt  }
0x85: {  	_ =	shalt  }
0x86: {  	_ =	shalt  }
0x87: {  	_ =	shalt  }
.Lfunc_end0:
.L_simem_size_0:
called_computation_lowered:
.L_overlay_start_0:
0x88: {  	s2 =	sld [smem:$0x3FD9]  }
0x89: {  	s3 =	sld [smem:$0x3FFE];
	_ =	sdelay $0x1  }
0x8a: {  	s1 =	srdreg.scid  }
0x8b: {  	s0 =	sand.u32 $0x1, s1  }
0x8c: {  	s17 =	sshll.u32 s0, $0xA;
	s2 =	sadd.s32 s3, s2  }
0x8d: {  	s2 =	sadd.s32 s2, s17  }
0x8e: {  	[smem:$0x3FBD] =	sst s2  }
0x8f: {  	_ = 	snop  }
0x90: {  	s2 =	sld [smem:$0x3FC9];
	(tm) =	ssettm $0x1  }
0x91: {  	s18 =	sld [smem:$0x3FFB];
	_ =	sdelay $0x3  }
0x92: {  	_ =	strace s18  }
0x93: {  	s3 =	sld [smem:$0x3FFC];
	_ =	sdelay $0x3  }
0x94: {  	_ =	strace s3  }
0x95: {  	s3 =	sld [smem:$0x3FFD];
	_ =	sdelay $0x3  }
0x96: {  	_ =	strace s3  }
0x97: {  	_ =	strace $0x8FFFFFFF  }
0x98: {  	s19 =	sld [smem:$0x3FDB];
	_ =	sdelay $0x1  }
0x99: {  	s4 =	simm.s32 $_scs_section_size  }
0x9a: {  	s5 =	simm.s32 $_size__tile_overlayer_lowered;
	s6 =	simm.s32 $_tile_overlayer_lowered  }
0x9b: {  	s22 =	simm.s32 $0x1BFF;
	s21 =	sshll.u32 s6, $0x1;
	s3 =	sadd.s32 s4, s19  }
0x9c: {  	s7 =	simm.s32 $0x0;
	s20 =	sshll.u32 s5, $0x1;
	s5 =	sadd.s32 s21, s3  }
0x9d: {  	[timem:s7], [sflag:s22] =	dma.local [hbm:s5], s20  }
0x9e: {  	_ =	swait.ge [sflag:s22], s20  }
0x9f: {  	s4 =	ssub.s32 $0x0, s20;
	[sflag:s22] =	ssyncset.done $0x0  }
0xa0: {  	[sflag:s22] =	ssyncadd.s32 s4;
	_ =	sdelay $0x1  }
0xa1: {  	s23 =	simm.s32 $0x1B8B  }
0xa2: {  	_ =	swait.ge [sflag:s23], $0x1  }
0xa3: {  	[sflag:s23] =	ssyncset.done $0x0  }
0xa4: {  	s25 =	simm.s32 $0x1B8E;
	s24 =	sld [smem:$0x3FFE];
	[sflag:s23] =	ssyncadd.s32 $0xFFFFFFFF  }
0xa5: {  	s26 =	simm.s32 $execute0_lowered;
	[smem:$0x3FD2] =	sst s25  }
0xa6: {  	s5 =	sshll.u32 s26, $0x1;
	_ =	strace $0x80000046;
	[dreg:$0x1] =	wrdreg $0xFFFFFFFF  }
0xa7: {  	s28 =	simm.s32 $_size_execute0_lowered;
	s3 =	sadd.s32 s3, s5;
	[dreg:$0x0] =	wrdreg $0x0  }
0xa8: {  	s5 =	sshll.u32 s28, $0x1;
	[dreg:$0x2] =	wrdreg s3  }
0xa9: {  	[dreg:$0x3] =	wrdreg s5  }
0xaa: {  	[dreg:$0x4] =	wrdreg $0xC0  }
0xab: {  	_ =	task [dreg:s7], $0x5FFFF  }
0xac: {  	[dreg:$0x1] =	wrdreg $0xFFFFFFFF  }
0xad: {  	[dreg:$0x0] =	wrdreg $0x60  }
0xae: {  	[dreg:$0x2] =	wrdreg s2  }
0xaf: {  	[dreg:$0x3] =	wrdreg s24  }
0xb0: {  	[dreg:$0x4] =	wrdreg $0x0  }
0xb1: {  	[dreg:$0x5] =	wrdreg $0x9  }
0xb2: {  	_ =	task.clear_ibuf [dreg:s7], $0x6FFFF;
	_ =	strace $0x90000046  }
0xb3: {  	s29 =	simm.s32 $0x9;
	_ =	strace $0x80000048  }
0xb4: {  	_ =	swait.ge [sflag:s29], $0x1  }
0xb5: {  	[sflag:s29] =	ssyncadd.s32 $0xFFFFFFFF  }
0xb6: {  	_ =	strace $0x90000048  }
0xb7: {  	_ =	sfence  }
0xb8: {  	s30 =	sld [smem:$0x0];
	_ =	sdelay $0x2  }
0xb9: {  	s31 =	sshll.u32 s1, $0xD;
	s1 =	sshrl.u32 s1, $0x2  }
0xba: {  	s3 =	sand.u32 $0x4000, s31;
	s1 =	sadd.s32 s1, s30  }
0xbb: {  	s0 =	sor.u32 s3, s0;
	s1 =	sshll.u32 s1, $0x11  }
0xbc: {  	s0 =	sor.u32 s1, s0  }
0xbd: {  	s0 =	sadd.s32 $0x8F2B, s0  }
0xbe: {  	[sflag:s0] =	ssyncadd.remote.s32 $0x1  }
0xbf: {  	_ =	sfence.sel $0xFFFF  }
0xc0: {  	[dreg:$0x0] =	wrdreg $0xFFFFFFFF;
	(pc) =	sbr.abs _section_cstart, $3  }
0xc1: {  	[dreg:$0x1] =	wrdreg $0xFFFFFFFF  }
0xc2: {  	_ =	task.clear_ibuf [dreg:s7], $0x2FFFF;
	_ =	strace $0x9FFFFFFF  }
0xc3: {  	(tm) =	ssettm $0x7FFFFFFF  }
tec
execute0_lowered:
.L_overlay_start_1:
0x0: {  	(tag) =	ssettag $0x1  }
0x1: {  	s2 =	rddreg [dreg:$0x0]  }
0x2: {  	s8 =	rddreg [dreg:$0x1]  }
0x3: {  	s0 =	stileid.u32;
	s3 =	rddreg [dreg:$0x2]  }
0x4: {  	s1 =	rddreg [dreg:$0x3];
	s4 =	simm.s32 $0x0;
	s6 =	srdreg.scid  }
0x5: {  	s16 =	simm.s32 $0x3;
	s17 =	simm.s32 $0x13900;
	s18 =	simm.s32 $0x80  }
0x6: {  	s19 =	simm.s32 $0x13980;
	s20 =	simm.s32 $0x17980;
	s21 =	simm.s32 $0x1  }
0x7: {  	s26 =	simm.s32 $0x0;
	s5 =	smul.u32 $0x278, s0;
	[smem:$0x7FF] =	sst s4  }
0x8: {  	s9 =	sand.u32 $0x1, s6;
	s6 =	sadd.s32 $0xB200, s8;
	s31 =	sshll.u32 s0, $0x6  }
0x9: {  	_ =	strace $0x80000047;
	s13 =	ssub.s32 $0x2, s9;
	s7 =	smin.u32 s5, $0x2498  }
0xa: {  	s10 =	smul.u32 $0x138800, s9;
	s14 =	sshrl.u32 s13, $0x1;
	s5 =	sshll.u32 s7, $0x4  }
0xb: {  	s12 =	sshll.u32 s7, $0x7;
	s7 =	sadd.s32 $0x1400, s8;
	s13 =	ssub.s32 s13, s14  }
.Ltmp0:
0xc: {  	s14 =	simm.s32 $0x2;
	s11 =	sadd.s32 s5, s8;
	(pc) =	sbr.rel .LBB2_1-.Ltmp0, $4  }
0xd: {  	s5 =	sadd.s32 $0x4F7000, s8;
	s10 =	sadd.s32 s10, s12;
	s30 =	sadd.s32 s12, s3  }
0xe: {  	s12 =	smax.u32 s13, $0x1;
	s10 =	sshrl.u32 s10, $0x3;
	s13 =	sshrl.u32 s30, $0x3  }
0xf: {  	s15 =	sadd.s32 s10, s8;
	s8 =	sshll.u32 s9, $0x4;
	s9 =	sadd.s32 $0x15000, s11  }
0x10: {  	s10 =	sor.u32 $0x1C02, s31;
	s11 =	sadd.s32 $0x3C200, s15;
	s15 =	simm.s32 $0x13880  }
.LBB2_7:
0x11: {  	s4 =	sadd.s32 $0x1, s4  }
0x12: {  	p0 =	sne.s32 s4, s12  }
.Ltmp1:
0x13: {  	[bflag:$0x0] =	sbarrier.arrive $0xFFFF;
	(pc) =	sbr.rel @!p0 .LBB2_8-.Ltmp1, $4  }
0x14: {  	[hbm:s11], [sflag:s10] =	dma.local [spmem:s13], $0x2780  }
0x15: {  	_ =	swait.ge [sflag:s14], $0x2780  }
0x16: {  	[sflag:s14] =	ssyncset.done $0x0  }
0x17: {  	[sflag:s14] =	ssyncadd.s32 $0xFFFFD880  }
.LBB2_1:
0x18: {  	[spmem:s13], [sflag:s10] =	dma.local [hbm:s9], $0x2780  }
.Ltmp2:
0x19: {  	_ =	swait.ge [sflag:s14], $0x2780;
	(pc) =	sbr.rel .LBB2_2-.Ltmp2, $4  }
0x1a: {  	[sflag:s14] =	ssyncset.done $0x0  }
0x1b: {  	[sflag:s14] =	ssyncadd.s32 $0xFFFFD880  }
0x1c: {  	[bflag:$0x0] =	sbarrier.arrive $0xFFFF  }
0x1d: {  	s22 =	simm.s32 $0x0  }
.LBB2_6:
0x1e: {  	s22 =	sadd.s32 $0x1, s22  }
0x1f: {  	p0 =	sne.s32 s22, $0x4F  }
.Ltmp3:
0x20: {  	_ = 	snop;
	(pc) =	sbr.rel @!p0 .LBB2_7-.Ltmp3, $1  }
0x21: {  	_ =	sdelay $0x3  }
.LBB2_2:
0x22: {  	s23 =	sshll.u32 s22, $0x5  }
0x23: {  	s23 =	sor.u32 s23, s8  }
0x24: {  	s23 =	sor.u32 s0, s23  }
0x25: {  	p0 =	sgt.u32 s23, $0x9C3  }
.Ltmp4:
0x26: {  	_ = 	snop;
	(pc) =	sbr.rel @p0 .LBB2_6-.Ltmp4, $1  }
0x27: {  	_ =	sdelay $0x3  }
0x28: {  	s24 =	sshll.u32 s23, $0x4  }
0x29: {  	s25 =	sadd.s32 s6, s24  }
0x2a: {  	[tilespmem:s15], [sflag:$0x3] =	stream.linear.gather [hbm4b:s25+s26], $0x80, $0x38;
	[tilespmem:$0x1B980] =	vst v63  }
0x2b: {  	_ =	swait.ge [sflag:s16], $0x80  }
0x2c: {  	[sflag:s16] =	ssyncset.done $0x0  }
0x2d: {  	s24 =	sadd.s32 s7, s24;
	[sflag:s16] =	ssyncadd.s32 $0xFFFFFF80  }
0x2e: {  	[tilespmem:s17], [sflag:$0x3] =	stream.linear.gather [hbm4b:s24+s26], $0x80, $0x38;
	[tilespmem:$0x1B980] =	vst v63  }
0x2f: {  	_ =	swait.ge [sflag:s16], $0x80  }
0x30: {  	[sflag:s16] =	ssyncset.done $0x0  }
0x31: {  	s31 =	sshll.u32 s23, $0xB;
	[sflag:s16] =	ssyncadd.s32 $0xFFFFFF80  }
0x32: {  	[tilespmem:s19], [sflag:$0x1] =	stream.indirect.gather [hbm4b:s2+s18], $0x80, s15, s18, $0xb8;
	[tilespmem:$0x1B980] =	vst v63  }
0x33: {  	s23 =	sadd.s32 s5, s31  }
0x34: {  	[tilespmem:s20], [sflag:$0x3] =	stream.linear.gather [hbm4b:s23+s26], $0x4000, $0x38;
	[tilespmem:$0x1B980] =	vst v63  }
0x35: {  	_ =	swait.ge [sflag:s16], $0x4000  }
0x36: {  	[sflag:s16] =	ssyncset.done $0x0  }
0x37: {  	[sflag:s16] =	ssyncadd.s32 $0xFFFFC000  }
0x38: {  	_ =	swait.ge [sflag:s21], $0x4000  }
0x39: {  	[sflag:s21] =	ssyncset.done $0x0  }
0x3a: {  	s23 =	simm.s32 $0x0;
	[sflag:s21] =	ssyncadd.s32 $0xFFFFC000  }
0x3b: {  	v6 =	vld [tilespmem:s23+$0x17980]  }
0x3c: {  	v11 =	vld [tilespmem:s23+$0x17990]  }
0x3d: {  	v5 =	vld [tilespmem:s23+$0x179A0]  }
0x3e: {  	v4 =	vld [tilespmem:s23+$0x179B0]  }
0x3f: {  	v3 =	vld [tilespmem:s23+$0x179C0]  }
0x40: {  	v2 =	vld [tilespmem:s23+$0x179D0]  }
0x41: {  	v1 =	vld [tilespmem:s23+$0x179E0]  }
0x42: {  	v0 =	vld [tilespmem:s23+$0x179F0]  }
0x43: {  	v12 =	vld [tilespmem:s23+$0x13980]  }
0x44: {  	v13 =	vld [tilespmem:s23+$0x13990]  }
0x45: {  	v10 =	vld [tilespmem:s23+$0x139A0]  }
0x46: {  	v9 =	vld [tilespmem:s23+$0x139B0]  }
0x47: {  	v8 =	vld [tilespmem:s23+$0x139C0]  }
0x48: {  	v7 =	vld [tilespmem:s23+$0x139D0];
	v12 =	vadd.f32 v6, v12  }
0x49: {  	s24 =	simm.s32 $0x200;
	v11 =	vadd.f32 v11, v13;
	v6 =	vld [tilespmem:s23+$0x139E0]  }
.LBB2_4:
0x4a: {  	s25 =	sshra.s32 s24, $0x2;
	p0 =	sne.s32 s24, $0xFE00;
	v12 =	vmax.f32 v12, $0.0e+00;
	v5 =	vadd.f32 v5, v10;
	v10 =	vld [tilespmem:s23+$0x139F0]  }
0x4b: {  	v13 =	vld [tilespmem:s25+$0x17980];
	[tilespmem:s23+$0x13980] =	vst v12;
	v11 =	vmax.f32 v11, $0.0e+00;
	v4 =	vadd.f32 v4, v9  }
0x4c: {  	v14 =	vld [tilespmem:s25+$0x17990];
	[tilespmem:s23+$0x13990] =	vst v11;
	v9 =	vmax.f32 v5, $0.0e+00;
	v3 =	vadd.f32 v3, v8  }
0x4d: {  	v5 =	vld [tilespmem:s25+$0x179A0];
	[tilespmem:s23+$0x139A0] =	vst v9;
	v8 =	vmax.f32 v4, $0.0e+00;
	v2 =	vadd.f32 v2, v7  }
0x4e: {  	v4 =	vld [tilespmem:s25+$0x179B0];
	[tilespmem:s23+$0x139B0] =	vst v8;
	v7 =	vmax.f32 v3, $0.0e+00;
	v1 =	vadd.f32 v1, v6  }
0x4f: {  	v3 =	vld [tilespmem:s25+$0x179C0];
	[tilespmem:s23+$0x139C0] =	vst v7;
	v6 =	vmax.f32 v2, $0.0e+00;
	v0 =	vadd.f32 v0, v10  }
0x50: {  	v2 =	vld [tilespmem:s25+$0x179D0];
	[tilespmem:s23+$0x139D0] =	vst v6;
	v6 =	vmax.f32 v1, $0.0e+00  }
0x51: {  	v1 =	vld [tilespmem:s25+$0x179E0];
	[tilespmem:s23+$0x139E0] =	vst v6;
	v6 =	vmax.f32 v0, $0.0e+00  }
0x52: {  	v0 =	vld [tilespmem:s25+$0x179F0];
	[tilespmem:s23+$0x139F0] =	vst v6;
	s23 =	smov.u32 s25  }
0x53: {  	v6 =	vld [tilespmem:s23+$0x13980]  }
0x54: {  	v11 =	vld [tilespmem:s23+$0x13990]  }
.Ltmp5:
0x55: {  	v10 =	vld [tilespmem:s23+$0x139A0];
	(pc) =	sbr.rel @p0 .LBB2_4-.Ltmp5, $4  }
0x56: {  	v9 =	vld [tilespmem:s23+$0x139B0]  }
0x57: {  	v8 =	vld [tilespmem:s23+$0x139C0]  }
0x58: {  	v12 =	vadd.f32 v13, v6;
	v7 =	vld [tilespmem:s23+$0x139D0]  }
0x59: {  	s24 =	sadd.s32 $0x200, s24;
	v11 =	vadd.f32 v14, v11;
	v6 =	vld [tilespmem:s23+$0x139E0]  }
0x5a: {  	v12 =	vmax.f32 v12, $0.0e+00;
	v5 =	vadd.f32 v5, v10;
	v63 =	vld [tilespmem:s23+$0x139F0]  }
0x5b: {  	[tilespmem:s23+$0x13980] =	vst v12;
	v11 =	vmax.f32 v11, $0.0e+00;
	v4 =	vadd.f32 v4, v9  }
0x5c: {  	[tilespmem:s23+$0x13990] =	vst v11;
	v5 =	vmax.f32 v5, $0.0e+00;
	v3 =	vadd.f32 v3, v8  }
0x5d: {  	[tilespmem:s23+$0x139A0] =	vst v5;
	v4 =	vmax.f32 v4, $0.0e+00;
	v2 =	vadd.f32 v2, v7  }
0x5e: {  	[tilespmem:s23+$0x139B0] =	vst v4;
	v3 =	vmax.f32 v3, $0.0e+00;
	v1 =	vadd.f32 v1, v6  }
0x5f: {  	[tilespmem:s23+$0x139C0] =	vst v3;
	v2 =	vmax.f32 v2, $0.0e+00;
	v0 =	vadd.f32 v0, v63  }
0x60: {  	[tilespmem:s23+$0x139D0] =	vst v2;
	v1 =	vmax.f32 v1, $0.0e+00  }
0x61: {  	[tilespmem:s23+$0x139E0] =	vst v1;
	v0 =	vmax.f32 v0, $0.0e+00  }
.Ltmp6:
0x62: {  	[tilespmem:s23+$0x139F0] =	vst v0;
	(pc) =	sbr.rel .LBB2_6-.Ltmp6, $4  }
0x63: {  	[spmem:s3] =	stream.indirect.scatter.add.f32 [tilespmem:s19], [sflag:$0x2], $0x80, s17, s18, $0xb8;
	[tilespmem:$0x1B980] =	vst v63  }
0x64: {  	_ =	swait.ge [sflag:s14], $0x4000  }
0x65: {  	[sflag:s14] =	ssyncset.done $0x0  }
0x66: {  	[sflag:s14] =	ssyncadd.s32 $0xFFFFC000  }
.LBB2_8:
0x67: {  	_ =	sfence.sel $0x180000  }
0x68: {  	[bflag:$0x0] =	sbarrier.arrive $0xFFFF  }
0x69: {  	p0 =	sne.s32 s0, $0x0;
	_ =	strace $0x90000047  }
0x6a: {  	s0 =	sadd.s32 @!p0 $0x100000, s1;
	[bflag:$0x2] =	sbarrier.arrive $0xFFFF  }
0x6b: {  	[sflag:s0] =	ssyncadd.tile.s32 @!p0 $0x1;
	_ =	shalt  }
.Lfunc_end2:
_tile_overlayer_lowered:
.L_overlay_start_2:
0x6c: {  	(tag) =	ssettag $0x2  }
0x6d: {  	s0 =	rddreg [dreg:$0x0];
	s2 =	stileid.u32  }
0x6e: {  	s1 =	rddreg [dreg:$0x1];
	p0 =	sne.s32 s2, $0x0  }
0x6f: {  	s3 =	rddreg [dreg:$0x2];
	[bflag:$0x3] =	sbarrier.arrive $0xFFFF;
	s2 =	simm.s32 @!p0 $0x1C02  }
0x70: {  	[timem:s3], [sflag:s2] =	dma.local @!p0 [hbm:s0], s1  }
0x71: {  	s0 =	simm.s32 @!p0 $0x2  }
0x72: {  	_ =	swait.ge @!p0 [sflag:s0], s1  }
0x73: {  	s1 =	ssub.s32 @!p0 $0x0, s1;
	[sflag:s0] =	ssyncset.done @!p0 $0x0  }
0x74: {  	[sflag:s0] =	ssyncadd.s32 @!p0 s1  }
0x75: {  	[bflag:$0x3] =	sbarrier.arrive $0xFFFF  }
0x76: {  	_ =	shalt  }

</sc_bundles>
